<compile_context>
chip_gen: v7x
topology: tpu7x:2x2x1
jax: 0.10.2.dev20260603
libtpu: 0.0.44.dev20260713+nightly
codegen_flags: <defaults>
</compile_context>

<pallas_src>
import functools

import jax
import jax.numpy as jnp
from jax import lax
from jax.experimental import pallas as pl
from jax.experimental.pallas import tpu as pltpu
from jax.experimental.pallas import tpu_sc as plsc

_INTERPRET = False

B = 16
N = 32768
D = 64
RB = 8192
NV = N // 16


def _sumsq_body(w_ref, ss_ref):
    x = w_ref[...]
    ss_ref[...] = jnp.sum(x * x, axis=1, keepdims=True)


def _mask_body(w_ref, ss_ref, thr_ref, out_ref):
    i = pl.program_id(0)
    t = thr_ref[i, 0]
    m = (ss_ref[...] >= t).astype(jnp.float32)
    out_ref[...] = w_ref[...] * m



def _splat(x):
    return jnp.broadcast_to(x, (16,))


def _scan_hist(hist_ref, nbuckets, t_minus_k):
    lanes = lax.iota(jnp.int32, 16)

    def body(i, carry):
        carry_cnt, best_j, best_pre, best_cnt = carry
        v = hist_ref[pl.ds(i * 16, 16)]
        c = plsc.cumsum(v)
        pre_excl = carry_cnt + c - v
        cond = pre_excl <= t_minus_k
        p = _splat(plsc.all_reduce_population_count(cond))
        has = p > 0
        lane = p - 1
        sel = lanes == lane
        v_at = _splat(jnp.sum(jnp.where(sel, v, 0)))
        pre_at = _splat(jnp.sum(jnp.where(sel, pre_excl, 0)))
        best_j = jnp.where(has, i * 16 + lane, best_j)
        best_pre = jnp.where(has, pre_at, best_pre)
        best_cnt = jnp.where(has, v_at, best_cnt)
        carry_cnt = carry_cnt + _splat(jnp.sum(jnp.where(lanes == 15, c, 0)))
        return carry_cnt, best_j, best_pre, best_cnt

    z = jnp.zeros((16,), jnp.int32)
    _, j, pre, cnt = lax.fori_loop(0, nbuckets // 16, body, (z, z, z, z),
                                   unroll=4)
    return j, pre, cnt


def _zero_hist(hist_ref, nbuckets):
    def body(i, carry):
        hist_ref[pl.ds(i * 16, 16)] = jnp.zeros((16,), jnp.int32)
        return carry
    lax.fori_loop(0, nbuckets // 16, body, 0, unroll=8)


def _hist_pass(ss_ref, hist_ref, shift, nmaskbits, prefix):
    ones = jnp.ones((16,), jnp.int32)

    def body(i, carry):
        v = ss_ref[pl.ds(i * 16, 16)]
        bits = plsc.bitcast(v, jnp.int32)
        if nmaskbits:
            hi = lax.shift_right_logical(bits, shift + nmaskbits)
            m = hi == prefix
            bucket = lax.shift_right_logical(bits, shift) & ((1 << nmaskbits) - 1)
            plsc.addupdate_scatter(hist_ref, [bucket], ones, mask=m)
        else:
            bucket = lax.shift_right_logical(bits, shift)
            plsc.addupdate_scatter(hist_ref, [bucket], ones)
        return carry

    lax.fori_loop(0, NV, body, 0, unroll=8)


def _sc_body(ss_hbm, k_hbm, out_hbm, ss_v, k_v, hist_v, thr_v):
    c = lax.axis_index("c")
    s = lax.axis_index("s")

    @pl.when(c == 0)
    def _():
        pltpu.sync_copy(ss_hbm.at[s], ss_v)
        pltpu.sync_copy(k_hbm.at[s], k_v)
        k = k_v[...]

        _zero_hist(hist_v, 2048)
        _hist_pass(ss_v, hist_v, 20, 0, 0)
        b1, pre1, cnt1 = _scan_hist(hist_v, 2048, N - k)
        k2 = k - (N - (pre1 + cnt1))
        _zero_hist(hist_v, 1024)
        _hist_pass(ss_v, hist_v, 10, 10, b1)
        b2, pre2, cnt2 = _scan_hist(hist_v, 1024, cnt1 - k2)
        k3 = k2 - (cnt1 - (pre2 + cnt2))
        _zero_hist(hist_v, 1024)
        _hist_pass(ss_v, hist_v, 0, 10, (b1 << 10) | b2)
        b3, _, _ = _scan_hist(hist_v, 1024, cnt2 - k3)

        thr_bits = (b1 << 20) | (b2 << 10) | b3
        thr_v[...] = plsc.bitcast(thr_bits, jnp.float32)
        pltpu.sync_copy(thr_v, out_hbm.at[s])


def _sc_select(ss, kvec):
    mesh = plsc.VectorSubcoreMesh(core_axis_name="c", subcore_axis_name="s")
    f = functools.partial(
        pl.kernel,
        mesh=mesh,
        out_type=jax.ShapeDtypeStruct((B, 16), jnp.float32),
        compiler_params=pltpu.CompilerParams(needs_layout_passes=False),
        scratch_types=[
            pltpu.VMEM((N,), jnp.float32),
            pltpu.VMEM((16,), jnp.int32),
            pltpu.VMEM((2048,), jnp.int32),
            pltpu.VMEM((16,), jnp.float32),
        ],
    )(_sc_body)
    return f(ss, kvec)


@jax.jit
def kernel(weight_params, logits, W, b):
    nblk = N // RB
    wt = jnp.swapaxes(weight_params, 1, 2)

    ss = pl.pallas_call(
        _sumsq_body,
        grid=(B, nblk),
        in_specs=[pl.BlockSpec((1, D, RB), lambda i, j: (i, 0, j))],
        out_specs=pl.BlockSpec((1, 1, RB), lambda i, j: (i, 0, j)),
        out_shape=jax.ShapeDtypeStruct((B, 1, N), jnp.float32),
        compiler_params=pltpu.CompilerParams(
            dimension_semantics=("parallel", "parallel")),
        interpret=_INTERPRET,
    )(wt)

    score = jax.nn.sigmoid(logits @ W + b)
    k = jnp.clip((score * N).astype(jnp.int32), 1, None)
    kvec = jnp.broadcast_to(k, (B, 16)).astype(jnp.int32)

    thresholds = _sc_select(ss.reshape(B, N), kvec)

    out_t = pl.pallas_call(
        _mask_body,
        grid=(B, nblk),
        in_specs=[
            pl.BlockSpec((1, D, RB), lambda i, j: (i, 0, j)),
            pl.BlockSpec((1, 1, RB), lambda i, j: (i, 0, j)),
            pl.BlockSpec(memory_space=pltpu.SMEM),
        ],
        out_specs=pl.BlockSpec((1, D, RB), lambda i, j: (i, 0, j)),
        out_shape=jax.ShapeDtypeStruct((B, D, N), jnp.float32),
        compiler_params=pltpu.CompilerParams(
            dimension_semantics=("parallel", "parallel")),
        interpret=_INTERPRET,
    )(wt, ss, thresholds)

    return jnp.swapaxes(out_t, 1, 2)

# --- scband reference (transcript-rebuilt; emitter-appended) ---
"""Pipeline reference for scband-row-mask-handler-29343216566869 (READ-ONLY COPY).

The authoritative reference and input builder live on the scoring server;
editing this copy changes nothing except your own understanding.
"""

import jax, jax.numpy as jnp
import numpy as np


def setup_inputs(seed: int = 0) -> dict:
    key = jax.random.key(seed)
    k1, k2, k3 = jax.random.split(key, 3)
    weight_params = jax.random.normal(k1, (16, 32768, 64), dtype=jnp.float32)
    logits = jax.random.normal(k2, (16, 1024), dtype=jnp.float32)
    # score_generator: LinearLayerStack(input_dim=1024 -> 1), modeled as a single linear layer
    W = jax.random.normal(k3, (1024, 1), dtype=jnp.float32) * 0.02
    b = jnp.zeros((1,), dtype=jnp.float32)
    return {"weight_params": weight_params, "logits": logits, "W": W, "b": b}


def reference(weight_params, logits, W, b):
    # score = sigmoid(score_generator(logits)) -> [B, 1]
    score = jax.nn.sigmoid(logits @ W + b)
    num_rows = weight_params.shape[-2]
    # k_per_sample = clamp((score * num_rows).long(), min=1).squeeze(-1) -> [B]
    k_per_sample = jnp.clip((score * num_rows).astype(jnp.int32), 1, None).squeeze(-1)
    # row_norms = weight_params.norm(dim=-1) -> [B, N]
    row_norms = jnp.linalg.norm(weight_params, axis=-1)
    # sort descending along last dim
    sorted_norms = -jnp.sort(-row_norms, axis=-1)
    # thresholds = sorted_norms.gather(-1, (k-1).unsqueeze(-1)) -> [B, 1]
    thresholds = jnp.take_along_axis(sorted_norms, (k_per_sample - 1)[..., None], axis=-1)
    mask = (row_norms >= thresholds).astype(jnp.float32)
    # eval-mode output (module.training == False)
    masked = weight_params * mask[..., None]
    return masked

if __name__ == "__main__":
    import jax
    _d = setup_inputs()
    print(jax.jit(kernel)(*tuple(_d.values())))

</pallas_src>

<mosaic_0001>
#map = affine_map<(d0, d1) -> (0, 0)>
module attributes {stable_mosaic.version = 14 : i64} {
  func.func @_sc_body(%arg0: i32, %arg1: i32, %arg2: memref<16x32768xf32, #tpu.memory_space<hbm>>, %arg3: memref<16x16xi32, #tpu.memory_space<hbm>>, %arg4: memref<16x16xf32, #tpu.memory_space<hbm>>, %arg5: memref<32768xf32, #tpu.memory_space<vmem>>, %arg6: memref<16xi32, #tpu.memory_space<vmem>>, %arg7: memref<2048xi32, #tpu.memory_space<vmem>>, %arg8: memref<16xf32, #tpu.memory_space<vmem>>) attributes {dimension_semantics = [#tpu.dimension_semantics<core_parallel>, #tpu.dimension_semantics<subcore_parallel>], iteration_bounds = array<i64: 2, 16>, scalar_prefetch = 0 : i64, scratch_operands = 4 : i64, tpu.core_type = #tpu.core_type<sc_vector_subcore>, window_params = [{transform_indices = #map}, {transform_indices = #map}, {transform_indices = #map}]} {
    %eq3A = arith.constant 0 : i32
    %eq3A_0 = arith.cmpi eq, %arg0, %eq3A : i32
    %convert_element_type3A = arith.extui %eq3A_0 : i1 to i32
    %cond3A = arith.constant 0 : i32
    %cond3A_1 = arith.cmpi ne, %convert_element_type3A, %cond3A : i32
    scf.if %cond3A_1 {
      "tpu.region"() ({
        %run_scoped3A = tpu.sem_alloc : memref<!tpu.dma_semaphore, #tpu.memory_space<semaphore_mem>>
        %dma_start3A = arith.constant 0 : i32
        %dma_start3A_91 = tpu.memref_slice %arg2[%arg1, %dma_start3A] : memref<16x32768xf32, #tpu.memory_space<hbm>> -> memref<1x32768xf32, #tpu.memory_space<hbm>>
        %dma_start3A_92 = tpu.memref_squeeze %dma_start3A_91 : memref<1x32768xf32, #tpu.memory_space<hbm>> -> memref<32768xf32, #tpu.memory_space<hbm>>
        %dma_start3A_93 = arith.constant 0 : i32
        %dma_start3A_94 = tpu.memref_slice %arg2[%arg1, %dma_start3A_93] : memref<16x32768xf32, #tpu.memory_space<hbm>> -> memref<1x32768xf32, #tpu.memory_space<hbm>>
        %dma_start3A_95 = tpu.memref_squeeze %dma_start3A_94 : memref<1x32768xf32, #tpu.memory_space<hbm>> -> memref<32768xf32, #tpu.memory_space<hbm>>
        tpu.enqueue_dma source(%dma_start3A_95 : memref<32768xf32, #tpu.memory_space<hbm>>) target(%arg5 : memref<32768xf32, #tpu.memory_space<vmem>>) target_semaphore(%run_scoped3A : memref<!tpu.dma_semaphore, #tpu.memory_space<semaphore_mem>>)
        %dma_wait3A = arith.constant 0 : i32
        %dma_wait3A_96 = tpu.memref_slice %arg2[%arg1, %dma_wait3A] : memref<16x32768xf32, #tpu.memory_space<hbm>> -> memref<1x32768xf32, #tpu.memory_space<hbm>>
        %dma_wait3A_97 = tpu.memref_squeeze %dma_wait3A_96 : memref<1x32768xf32, #tpu.memory_space<hbm>> -> memref<32768xf32, #tpu.memory_space<hbm>>
        %dma_wait3A_98 = arith.constant 0 : i32
        %dma_wait3A_99 = tpu.memref_slice %arg2[%arg1, %dma_wait3A_98] : memref<16x32768xf32, #tpu.memory_space<hbm>> -> memref<1x32768xf32, #tpu.memory_space<hbm>>
        %dma_wait3A_100 = tpu.memref_squeeze %dma_wait3A_99 : memref<1x32768xf32, #tpu.memory_space<hbm>> -> memref<32768xf32, #tpu.memory_space<hbm>>
        tpu.wait_dma2 semaphore(%run_scoped3A : memref<!tpu.dma_semaphore, #tpu.memory_space<semaphore_mem>>) src(%dma_wait3A_100 : memref<32768xf32, #tpu.memory_space<hbm>>) dst(%arg5 : memref<32768xf32, #tpu.memory_space<vmem>>)
        tpu.yield
      }) : () -> ()
      "tpu.region"() ({
        %run_scoped3A = tpu.sem_alloc : memref<!tpu.dma_semaphore, #tpu.memory_space<semaphore_mem>>
        %dma_start3A = arith.constant 0 : i32
        %dma_start3A_91 = tpu.memref_slice %arg3[%arg1, %dma_start3A] : memref<16x16xi32, #tpu.memory_space<hbm>> -> memref<1x16xi32, #tpu.memory_space<hbm>>
        %dma_start3A_92 = tpu.memref_squeeze %dma_start3A_91 : memref<1x16xi32, #tpu.memory_space<hbm>> -> memref<16xi32, #tpu.memory_space<hbm>>
        %dma_start3A_93 = arith.constant 0 : i32
        %dma_start3A_94 = tpu.memref_slice %arg3[%arg1, %dma_start3A_93] : memref<16x16xi32, #tpu.memory_space<hbm>> -> memref<1x16xi32, #tpu.memory_space<hbm>>
        %dma_start3A_95 = tpu.memref_squeeze %dma_start3A_94 : memref<1x16xi32, #tpu.memory_space<hbm>> -> memref<16xi32, #tpu.memory_space<hbm>>
        tpu.enqueue_dma source(%dma_start3A_95 : memref<16xi32, #tpu.memory_space<hbm>>) target(%arg6 : memref<16xi32, #tpu.memory_space<vmem>>) target_semaphore(%run_scoped3A : memref<!tpu.dma_semaphore, #tpu.memory_space<semaphore_mem>>)
        %dma_wait3A = arith.constant 0 : i32
        %dma_wait3A_96 = tpu.memref_slice %arg3[%arg1, %dma_wait3A] : memref<16x16xi32, #tpu.memory_space<hbm>> -> memref<1x16xi32, #tpu.memory_space<hbm>>
        %dma_wait3A_97 = tpu.memref_squeeze %dma_wait3A_96 : memref<1x16xi32, #tpu.memory_space<hbm>> -> memref<16xi32, #tpu.memory_space<hbm>>
        %dma_wait3A_98 = arith.constant 0 : i32
        %dma_wait3A_99 = tpu.memref_slice %arg3[%arg1, %dma_wait3A_98] : memref<16x16xi32, #tpu.memory_space<hbm>> -> memref<1x16xi32, #tpu.memory_space<hbm>>
        %dma_wait3A_100 = tpu.memref_squeeze %dma_wait3A_99 : memref<1x16xi32, #tpu.memory_space<hbm>> -> memref<16xi32, #tpu.memory_space<hbm>>
        tpu.wait_dma2 semaphore(%run_scoped3A : memref<!tpu.dma_semaphore, #tpu.memory_space<semaphore_mem>>) src(%dma_wait3A_100 : memref<16xi32, #tpu.memory_space<hbm>>) dst(%arg6 : memref<16xi32, #tpu.memory_space<vmem>>)
        tpu.yield
      }) : () -> ()
      %get3A = arith.constant 0 : index
      %get3A_2 = tpu.vector_load %arg6[%get3A] {strides = array<i32>} : memref<16xi32, #tpu.memory_space<vmem>>, vector<16xi32>,
      %scan3A = arith.constant 0 : i32
      %scan3A_3 = arith.constant 0 : i32
      %scan3A_4 = arith.constant 128 : i32
      %scan3A_5 = arith.addi %scan3A_3, %scan3A_4 : i32
      %scan3A_6 = arith.constant 8 : i32
      scf.for %scan3A_91 = %scan3A_3 to %scan3A_5 step %scan3A_6  : i32 {
        %broadcast_in_dim3A_92 = arith.constant 0 : i32
        %broadcast_in_dim3A_93 = vector.broadcast %broadcast_in_dim3A_92 : i32 to vector<16xi32>
        %mul3A = arith.constant 16 : i32
        %mul3A_94 = arith.muli %scan3A_91, %mul3A : i32
        %swap3A_95 = arith.index_cast %mul3A_94 : i32 to index
        %swap3A_96 = tpu.vector_load %arg7[%swap3A_95] {strides = array<i32>} : memref<2048xi32, #tpu.memory_space<vmem>>, vector<16xi32>,
        tpu.vector_store %arg7[%swap3A_95], %broadcast_in_dim3A_93 {strides = array<i32>} : memref<2048xi32, #tpu.memory_space<vmem>>, vector<16xi32>,
        %scan3A_97 = arith.constant 1 : i32
        %scan3A_98 = arith.addi %scan3A_91, %scan3A_97 : i32
        %broadcast_in_dim3A_99 = arith.constant 0 : i32
        %broadcast_in_dim3A_100 = vector.broadcast %broadcast_in_dim3A_99 : i32 to vector<16xi32>
        %mul3A_101 = arith.constant 16 : i32
        %mul3A_102 = arith.muli %scan3A_98, %mul3A_101 : i32
        %swap3A_103 = arith.index_cast %mul3A_102 : i32 to index
        %swap3A_104 = tpu.vector_load %arg7[%swap3A_103] {strides = array<i32>} : memref<2048xi32, #tpu.memory_space<vmem>>, vector<16xi32>,
        tpu.vector_store %arg7[%swap3A_103], %broadcast_in_dim3A_100 {strides = array<i32>} : memref<2048xi32, #tpu.memory_space<vmem>>, vector<16xi32>,
        %scan3A_105 = arith.constant 2 : i32
        %scan3A_106 = arith.addi %scan3A_91, %scan3A_105 : i32
        %broadcast_in_dim3A_107 = arith.constant 0 : i32
        %broadcast_in_dim3A_108 = vector.broadcast %broadcast_in_dim3A_107 : i32 to vector<16xi32>
        %mul3A_109 = arith.constant 16 : i32
        %mul3A_110 = arith.muli %scan3A_106, %mul3A_109 : i32
        %swap3A_111 = arith.index_cast %mul3A_110 : i32 to index
        %swap3A_112 = tpu.vector_load %arg7[%swap3A_111] {strides = array<i32>} : memref<2048xi32, #tpu.memory_space<vmem>>, vector<16xi32>,
        tpu.vector_store %arg7[%swap3A_111], %broadcast_in_dim3A_108 {strides = array<i32>} : memref<2048xi32, #tpu.memory_space<vmem>>, vector<16xi32>,
        %scan3A_113 = arith.constant 3 : i32
        %scan3A_114 = arith.addi %scan3A_91, %scan3A_113 : i32
        %broadcast_in_dim3A_115 = arith.constant 0 : i32
        %broadcast_in_dim3A_116 = vector.broadcast %broadcast_in_dim3A_115 : i32 to vector<16xi32>
        %mul3A_117 = arith.constant 16 : i32
        %mul3A_118 = arith.muli %scan3A_114, %mul3A_117 : i32
        %swap3A_119 = arith.index_cast %mul3A_118 : i32 to index
        %swap3A_120 = tpu.vector_load %arg7[%swap3A_119] {strides = array<i32>} : memref<2048xi32, #tpu.memory_space<vmem>>, vector<16xi32>,
        tpu.vector_store %arg7[%swap3A_119], %broadcast_in_dim3A_116 {strides = array<i32>} : memref<2048xi32, #tpu.memory_space<vmem>>, vector<16xi32>,
        %scan3A_121 = arith.constant 4 : i32
        %scan3A_122 = arith.addi %scan3A_91, %scan3A_121 : i32
        %broadcast_in_dim3A_123 = arith.constant 0 : i32
        %broadcast_in_dim3A_124 = vector.broadcast %broadcast_in_dim3A_123 : i32 to vector<16xi32>
        %mul3A_125 = arith.constant 16 : i32
        %mul3A_126 = arith.muli %scan3A_122, %mul3A_125 : i32
        %swap3A_127 = arith.index_cast %mul3A_126 : i32 to index
        %swap3A_128 = tpu.vector_load %arg7[%swap3A_127] {strides = array<i32>} : memref<2048xi32, #tpu.memory_space<vmem>>, vector<16xi32>,
        tpu.vector_store %arg7[%swap3A_127], %broadcast_in_dim3A_124 {strides = array<i32>} : memref<2048xi32, #tpu.memory_space<vmem>>, vector<16xi32>,
        %scan3A_129 = arith.constant 5 : i32
        %scan3A_130 = arith.addi %scan3A_91, %scan3A_129 : i32
        %broadcast_in_dim3A_131 = arith.constant 0 : i32
        %broadcast_in_dim3A_132 = vector.broadcast %broadcast_in_dim3A_131 : i32 to vector<16xi32>
        %mul3A_133 = arith.constant 16 : i32
        %mul3A_134 = arith.muli %scan3A_130, %mul3A_133 : i32
        %swap3A_135 = arith.index_cast %mul3A_134 : i32 to index
        %swap3A_136 = tpu.vector_load %arg7[%swap3A_135] {strides = array<i32>} : memref<2048xi32, #tpu.memory_space<vmem>>, vector<16xi32>,
        tpu.vector_store %arg7[%swap3A_135], %broadcast_in_dim3A_132 {strides = array<i32>} : memref<2048xi32, #tpu.memory_space<vmem>>, vector<16xi32>,
        %scan3A_137 = arith.constant 6 : i32
        %scan3A_138 = arith.addi %scan3A_91, %scan3A_137 : i32
        %broadcast_in_dim3A_139 = arith.constant 0 : i32
        %broadcast_in_dim3A_140 = vector.broadcast %broadcast_in_dim3A_139 : i32 to vector<16xi32>
        %mul3A_141 = arith.constant 16 : i32
        %mul3A_142 = arith.muli %scan3A_138, %mul3A_141 : i32
        %swap3A_143 = arith.index_cast %mul3A_142 : i32 to index
        %swap3A_144 = tpu.vector_load %arg7[%swap3A_143] {strides = array<i32>} : memref<2048xi32, #tpu.memory_space<vmem>>, vector<16xi32>,
        tpu.vector_store %arg7[%swap3A_143], %broadcast_in_dim3A_140 {strides = array<i32>} : memref<2048xi32, #tpu.memory_space<vmem>>, vector<16xi32>,
        %scan3A_145 = arith.constant 7 : i32
        %scan3A_146 = arith.addi %scan3A_91, %scan3A_145 : i32
        %broadcast_in_dim3A_147 = arith.constant 0 : i32
        %broadcast_in_dim3A_148 = vector.broadcast %broadcast_in_dim3A_147 : i32 to vector<16xi32>
        %mul3A_149 = arith.constant 16 : i32
        %mul3A_150 = arith.muli %scan3A_146, %mul3A_149 : i32
        %swap3A_151 = arith.index_cast %mul3A_150 : i32 to index
        %swap3A_152 = tpu.vector_load %arg7[%swap3A_151] {strides = array<i32>} : memref<2048xi32, #tpu.memory_space<vmem>>, vector<16xi32>,
        tpu.vector_store %arg7[%swap3A_151], %broadcast_in_dim3A_148 {strides = array<i32>} : memref<2048xi32, #tpu.memory_space<vmem>>, vector<16xi32>,
      }
      %scan3A_7 = arith.constant 128 : i32
      %broadcast_in_dim3A = arith.constant 1 : i32
      %broadcast_in_dim3A_8 = vector.broadcast %broadcast_in_dim3A : i32 to vector<16xi32>
      %scan3A_9 = arith.constant 0 : i32
      %scan3A_10 = arith.constant 0 : i32
      %scan3A_11 = arith.constant 2048 : i32
      %scan3A_12 = arith.addi %scan3A_10, %scan3A_11 : i32
      %scan3A_13 = arith.constant 8 : i32
      scf.for %scan3A_91 = %scan3A_10 to %scan3A_12 step %scan3A_13  : i32 {
        %mul3A = arith.constant 16 : i32
        %mul3A_92 = arith.muli %scan3A_91, %mul3A : i32
        %get3A_93 = arith.index_cast %mul3A_92 : i32 to index
        %get3A_94 = tpu.vector_load %arg5[%get3A_93] {strides = array<i32>} : memref<32768xf32, #tpu.memory_space<vmem>>, vector<16xf32>,
        %bitcast3A_95 = vector.bitcast %get3A_94 : vector<16xf32> to vector<16xi32>
        %shift_right_logical3A = arith.constant 20 : i32
        %shift_right_logical3A_96 = vector.broadcast %shift_right_logical3A : i32 to vector<16xi32>
        %shift_right_logical3A_97 = arith.shrui %bitcast3A_95, %shift_right_logical3A_96 : vector<16xi32>
        tpu.vector_store_idx %arg7[%shift_right_logical3A_97], %broadcast_in_dim3A_8 {add = true} : memref<2048xi32, #tpu.memory_space<vmem>>[vector<16xi32>], vector<16xi32>,
        %scan3A_98 = arith.constant 1 : i32
        %scan3A_99 = arith.addi %scan3A_91, %scan3A_98 : i32
        %mul3A_100 = arith.constant 16 : i32
        %mul3A_101 = arith.muli %scan3A_99, %mul3A_100 : i32
        %get3A_102 = arith.index_cast %mul3A_101 : i32 to index
        %get3A_103 = tpu.vector_load %arg5[%get3A_102] {strides = array<i32>} : memref<32768xf32, #tpu.memory_space<vmem>>, vector<16xf32>,
        %bitcast3A_104 = vector.bitcast %get3A_103 : vector<16xf32> to vector<16xi32>
        %shift_right_logical3A_105 = arith.constant 20 : i32
        %shift_right_logical3A_106 = vector.broadcast %shift_right_logical3A_105 : i32 to vector<16xi32>
        %shift_right_logical3A_107 = arith.shrui %bitcast3A_104, %shift_right_logical3A_106 : vector<16xi32>
        tpu.vector_store_idx %arg7[%shift_right_logical3A_107], %broadcast_in_dim3A_8 {add = true} : memref<2048xi32, #tpu.memory_space<vmem>>[vector<16xi32>], vector<16xi32>,
        %scan3A_108 = arith.constant 2 : i32
        %scan3A_109 = arith.addi %scan3A_91, %scan3A_108 : i32
        %mul3A_110 = arith.constant 16 : i32
        %mul3A_111 = arith.muli %scan3A_109, %mul3A_110 : i32
        %get3A_112 = arith.index_cast %mul3A_111 : i32 to index
        %get3A_113 = tpu.vector_load %arg5[%get3A_112] {strides = array<i32>} : memref<32768xf32, #tpu.memory_space<vmem>>, vector<16xf32>,
        %bitcast3A_114 = vector.bitcast %get3A_113 : vector<16xf32> to vector<16xi32>
        %shift_right_logical3A_115 = arith.constant 20 : i32
        %shift_right_logical3A_116 = vector.broadcast %shift_right_logical3A_115 : i32 to vector<16xi32>
        %shift_right_logical3A_117 = arith.shrui %bitcast3A_114, %shift_right_logical3A_116 : vector<16xi32>
        tpu.vector_store_idx %arg7[%shift_right_logical3A_117], %broadcast_in_dim3A_8 {add = true} : memref<2048xi32, #tpu.memory_space<vmem>>[vector<16xi32>], vector<16xi32>,
        %scan3A_118 = arith.constant 3 : i32
        %scan3A_119 = arith.addi %scan3A_91, %scan3A_118 : i32
        %mul3A_120 = arith.constant 16 : i32
        %mul3A_121 = arith.muli %scan3A_119, %mul3A_120 : i32
        %get3A_122 = arith.index_cast %mul3A_121 : i32 to index
        %get3A_123 = tpu.vector_load %arg5[%get3A_122] {strides = array<i32>} : memref<32768xf32, #tpu.memory_space<vmem>>, vector<16xf32>,
        %bitcast3A_124 = vector.bitcast %get3A_123 : vector<16xf32> to vector<16xi32>
        %shift_right_logical3A_125 = arith.constant 20 : i32
        %shift_right_logical3A_126 = vector.broadcast %shift_right_logical3A_125 : i32 to vector<16xi32>
        %shift_right_logical3A_127 = arith.shrui %bitcast3A_124, %shift_right_logical3A_126 : vector<16xi32>
        tpu.vector_store_idx %arg7[%shift_right_logical3A_127], %broadcast_in_dim3A_8 {add = true} : memref<2048xi32, #tpu.memory_space<vmem>>[vector<16xi32>], vector<16xi32>,
        %scan3A_128 = arith.constant 4 : i32
        %scan3A_129 = arith.addi %scan3A_91, %scan3A_128 : i32
        %mul3A_130 = arith.constant 16 : i32
        %mul3A_131 = arith.muli %scan3A_129, %mul3A_130 : i32
        %get3A_132 = arith.index_cast %mul3A_131 : i32 to index
        %get3A_133 = tpu.vector_load %arg5[%get3A_132] {strides = array<i32>} : memref<32768xf32, #tpu.memory_space<vmem>>, vector<16xf32>,
        %bitcast3A_134 = vector.bitcast %get3A_133 : vector<16xf32> to vector<16xi32>
        %shift_right_logical3A_135 = arith.constant 20 : i32
        %shift_right_logical3A_136 = vector.broadcast %shift_right_logical3A_135 : i32 to vector<16xi32>
        %shift_right_logical3A_137 = arith.shrui %bitcast3A_134, %shift_right_logical3A_136 : vector<16xi32>
        tpu.vector_store_idx %arg7[%shift_right_logical3A_137], %broadcast_in_dim3A_8 {add = true} : memref<2048xi32, #tpu.memory_space<vmem>>[vector<16xi32>], vector<16xi32>,
        %scan3A_138 = arith.constant 5 : i32
        %scan3A_139 = arith.addi %scan3A_91, %scan3A_138 : i32
        %mul3A_140 = arith.constant 16 : i32
        %mul3A_141 = arith.muli %scan3A_139, %mul3A_140 : i32
        %get3A_142 = arith.index_cast %mul3A_141 : i32 to index
        %get3A_143 = tpu.vector_load %arg5[%get3A_142] {strides = array<i32>} : memref<32768xf32, #tpu.memory_space<vmem>>, vector<16xf32>,
        %bitcast3A_144 = vector.bitcast %get3A_143 : vector<16xf32> to vector<16xi32>
        %shift_right_logical3A_145 = arith.constant 20 : i32
        %shift_right_logical3A_146 = vector.broadcast %shift_right_logical3A_145 : i32 to vector<16xi32>
        %shift_right_logical3A_147 = arith.shrui %bitcast3A_144, %shift_right_logical3A_146 : vector<16xi32>
        tpu.vector_store_idx %arg7[%shift_right_logical3A_147], %broadcast_in_dim3A_8 {add = true} : memref<2048xi32, #tpu.memory_space<vmem>>[vector<16xi32>], vector<16xi32>,
        %scan3A_148 = arith.constant 6 : i32
        %scan3A_149 = arith.addi %scan3A_91, %scan3A_148 : i32
        %mul3A_150 = arith.constant 16 : i32
        %mul3A_151 = arith.muli %scan3A_149, %mul3A_150 : i32
        %get3A_152 = arith.index_cast %mul3A_151 : i32 to index
        %get3A_153 = tpu.vector_load %arg5[%get3A_152] {strides = array<i32>} : memref<32768xf32, #tpu.memory_space<vmem>>, vector<16xf32>,
        %bitcast3A_154 = vector.bitcast %get3A_153 : vector<16xf32> to vector<16xi32>
        %shift_right_logical3A_155 = arith.constant 20 : i32
        %shift_right_logical3A_156 = vector.broadcast %shift_right_logical3A_155 : i32 to vector<16xi32>
        %shift_right_logical3A_157 = arith.shrui %bitcast3A_154, %shift_right_logical3A_156 : vector<16xi32>
        tpu.vector_store_idx %arg7[%shift_right_logical3A_157], %broadcast_in_dim3A_8 {add = true} : memref<2048xi32, #tpu.memory_space<vmem>>[vector<16xi32>], vector<16xi32>,
        %scan3A_158 = arith.constant 7 : i32
        %scan3A_159 = arith.addi %scan3A_91, %scan3A_158 : i32
        %mul3A_160 = arith.constant 16 : i32
        %mul3A_161 = arith.muli %scan3A_159, %mul3A_160 : i32
        %get3A_162 = arith.index_cast %mul3A_161 : i32 to index
        %get3A_163 = tpu.vector_load %arg5[%get3A_162] {strides = array<i32>} : memref<32768xf32, #tpu.memory_space<vmem>>, vector<16xf32>,
        %bitcast3A_164 = vector.bitcast %get3A_163 : vector<16xf32> to vector<16xi32>
        %shift_right_logical3A_165 = arith.constant 20 : i32
        %shift_right_logical3A_166 = vector.broadcast %shift_right_logical3A_165 : i32 to vector<16xi32>
        %shift_right_logical3A_167 = arith.shrui %bitcast3A_164, %shift_right_logical3A_166 : vector<16xi32>
        tpu.vector_store_idx %arg7[%shift_right_logical3A_167], %broadcast_in_dim3A_8 {add = true} : memref<2048xi32, #tpu.memory_space<vmem>>[vector<16xi32>], vector<16xi32>,
      }
      %scan3A_14 = arith.constant 2048 : i32
      %sub3A = arith.constant 32768 : i32
      %sub3A_15 = vector.broadcast %sub3A : i32 to vector<16xi32>
      %sub3A_16 = arith.subi %sub3A_15, %get3A_2 : vector<16xi32>
      %iota3A = tpu.iota {dimensions = array<i32: 0>} : vector<16xi32>
      %broadcast_in_dim3A_17 = arith.constant 0 : i32
      %broadcast_in_dim3A_18 = vector.broadcast %broadcast_in_dim3A_17 : i32 to vector<16xi32>
      %scan3A_19 = arith.constant 0 : i32
      %scan3A_20 = arith.constant 128 : i32
      %scan3A_21 = arith.addi %scan3A_19, %scan3A_20 : i32
      %scan3A_22 = arith.constant 4 : i32
      %scan3A_23:4 = scf.for %scan3A_91 = %scan3A_19 to %scan3A_21 step %scan3A_22 iter_args(%scan3A_92 = %broadcast_in_dim3A_18, %scan3A_93 = %broadcast_in_dim3A_18, %scan3A_94 = %broadcast_in_dim3A_18, %scan3A_95 = %broadcast_in_dim3A_18) -> (vector<16xi32>, vector<16xi32>, vector<16xi32>, vector<16xi32>)  : i32 {
        %mul3A = arith.constant 16 : i32
        %mul3A_96 = arith.muli %scan3A_91, %mul3A : i32
        %get3A_97 = arith.index_cast %mul3A_96 : i32 to index
        %get3A_98 = tpu.vector_load %arg7[%get3A_97] {strides = array<i32>} : memref<2048xi32, #tpu.memory_space<vmem>>, vector<16xi32>,
        %broadcast_in_dim3A_99 = arith.constant true
        %broadcast_in_dim3A_100 = vector.broadcast %broadcast_in_dim3A_99 : i1 to vector<16xi1>
        %masked_cumsum3A = tpu.scan <sum>, %get3A_98 masked %broadcast_in_dim3A_100 : vector<16xi32>, vector<16xi1> -> vector<16xi32>
        %add3A_101 = arith.addi %scan3A_92, %masked_cumsum3A : vector<16xi32>
        %sub3A_102 = arith.subi %add3A_101, %get3A_98 : vector<16xi32>
        %le3A = arith.cmpi sle, %sub3A_102, %sub3A_16 : vector<16xi32>
        %all_reduce_population_count3A = tpu.all_reduce %le3A {dim = 0 : i64, kind = #tpu.reduction_kind<sum>} : vector<16xi1> -> vector<16xi32>
        %gt3A = arith.constant 0 : i32
        %gt3A_103 = vector.broadcast %gt3A : i32 to vector<16xi32>
        %gt3A_104 = arith.cmpi sgt, %all_reduce_population_count3A, %gt3A_103 : vector<16xi32>
        %sub3A_105 = arith.constant 1 : i32
        %sub3A_106 = vector.broadcast %sub3A_105 : i32 to vector<16xi32>
        %sub3A_107 = arith.subi %all_reduce_population_count3A, %sub3A_106 : vector<16xi32>
        %eq3A_108 = arith.cmpi eq, %iota3A, %sub3A_107 : vector<16xi32>
        %jit3A = arith.constant 0 : i32
        %broadcast_in_dim3A_109 = vector.broadcast %jit3A : i32 to vector<16xi32>
        %select_n3A = arith.select %eq3A_108, %get3A_98, %broadcast_in_dim3A_109 : vector<16xi1>, vector<16xi32>
        %reduce_sum3A = arith.constant true
        %reduce_sum3A_110 = vector.broadcast %reduce_sum3A : i1 to vector<16xi1>
        %reduce_sum3A_111 = tpu.scan <sum>, %select_n3A masked %reduce_sum3A_110 : vector<16xi32>, vector<16xi1> -> vector<16xi32>
        %reduce_sum3A_112 = vector.extract %reduce_sum3A_111[15] : i32 from vector<16xi32>
        %broadcast_in_dim3A_113 = vector.broadcast %reduce_sum3A_112 : i32 to vector<16xi32>
        %jit3A_114 = arith.constant 0 : i32
        %broadcast_in_dim3A_115 = vector.broadcast %jit3A_114 : i32 to vector<16xi32>
        %select_n3A_116 = arith.select %eq3A_108, %sub3A_102, %broadcast_in_dim3A_115 : vector<16xi1>, vector<16xi32>
        %reduce_sum3A_117 = arith.constant true
        %reduce_sum3A_118 = vector.broadcast %reduce_sum3A_117 : i1 to vector<16xi1>
        %reduce_sum3A_119 = tpu.scan <sum>, %select_n3A_116 masked %reduce_sum3A_118 : vector<16xi32>, vector<16xi1> -> vector<16xi32>
        %reduce_sum3A_120 = vector.extract %reduce_sum3A_119[15] : i32 from vector<16xi32>
        %broadcast_in_dim3A_121 = vector.broadcast %reduce_sum3A_120 : i32 to vector<16xi32>
        %mul3A_122 = arith.constant 16 : i32
        %mul3A_123 = arith.muli %scan3A_91, %mul3A_122 : i32
        %add3A_124 = vector.broadcast %mul3A_123 : i32 to vector<16xi32>
        %add3A_125 = arith.addi %add3A_124, %sub3A_107 : vector<16xi32>
        %select_n3A_126 = arith.select %gt3A_104, %add3A_125, %scan3A_93 : vector<16xi1>, vector<16xi32>
        %select_n3A_127 = arith.select %gt3A_104, %broadcast_in_dim3A_121, %scan3A_94 : vector<16xi1>, vector<16xi32>
        %select_n3A_128 = arith.select %gt3A_104, %broadcast_in_dim3A_113, %scan3A_95 : vector<16xi1>, vector<16xi32>
        %eq3A_129 = arith.constant 15 : i32
        %eq3A_130 = vector.broadcast %eq3A_129 : i32 to vector<16xi32>
        %eq3A_131 = arith.cmpi eq, %iota3A, %eq3A_130 : vector<16xi32>
        %jit3A_132 = arith.constant 0 : i32
        %broadcast_in_dim3A_133 = vector.broadcast %jit3A_132 : i32 to vector<16xi32>
        %select_n3A_134 = arith.select %eq3A_131, %masked_cumsum3A, %broadcast_in_dim3A_133 : vector<16xi1>, vector<16xi32>
        %reduce_sum3A_135 = arith.constant true
        %reduce_sum3A_136 = vector.broadcast %reduce_sum3A_135 : i1 to vector<16xi1>
        %reduce_sum3A_137 = tpu.scan <sum>, %select_n3A_134 masked %reduce_sum3A_136 : vector<16xi32>, vector<16xi1> -> vector<16xi32>
        %reduce_sum3A_138 = vector.extract %reduce_sum3A_137[15] : i32 from vector<16xi32>
        %broadcast_in_dim3A_139 = vector.broadcast %reduce_sum3A_138 : i32 to vector<16xi32>
        %add3A_140 = arith.addi %scan3A_92, %broadcast_in_dim3A_139 : vector<16xi32>
        %scan3A_141 = arith.constant 1 : i32
        %scan3A_142 = arith.addi %scan3A_91, %scan3A_141 : i32
        %mul3A_143 = arith.constant 16 : i32
        %mul3A_144 = arith.muli %scan3A_142, %mul3A_143 : i32
        %get3A_145 = arith.index_cast %mul3A_144 : i32 to index
        %get3A_146 = tpu.vector_load %arg7[%get3A_145] {strides = array<i32>} : memref<2048xi32, #tpu.memory_space<vmem>>, vector<16xi32>,
        %broadcast_in_dim3A_147 = arith.constant true
        %broadcast_in_dim3A_148 = vector.broadcast %broadcast_in_dim3A_147 : i1 to vector<16xi1>
        %masked_cumsum3A_149 = tpu.scan <sum>, %get3A_146 masked %broadcast_in_dim3A_148 : vector<16xi32>, vector<16xi1> -> vector<16xi32>
        %add3A_150 = arith.addi %add3A_140, %masked_cumsum3A_149 : vector<16xi32>
        %sub3A_151 = arith.subi %add3A_150, %get3A_146 : vector<16xi32>
        %le3A_152 = arith.cmpi sle, %sub3A_151, %sub3A_16 : vector<16xi32>
        %all_reduce_population_count3A_153 = tpu.all_reduce %le3A_152 {dim = 0 : i64, kind = #tpu.reduction_kind<sum>} : vector<16xi1> -> vector<16xi32>
        %gt3A_154 = arith.constant 0 : i32
        %gt3A_155 = vector.broadcast %gt3A_154 : i32 to vector<16xi32>
        %gt3A_156 = arith.cmpi sgt, %all_reduce_population_count3A_153, %gt3A_155 : vector<16xi32>
        %sub3A_157 = arith.constant 1 : i32
        %sub3A_158 = vector.broadcast %sub3A_157 : i32 to vector<16xi32>
        %sub3A_159 = arith.subi %all_reduce_population_count3A_153, %sub3A_158 : vector<16xi32>
        %eq3A_160 = arith.cmpi eq, %iota3A, %sub3A_159 : vector<16xi32>
        %jit3A_161 = arith.constant 0 : i32
        %broadcast_in_dim3A_162 = vector.broadcast %jit3A_161 : i32 to vector<16xi32>
        %select_n3A_163 = arith.select %eq3A_160, %get3A_146, %broadcast_in_dim3A_162 : vector<16xi1>, vector<16xi32>
        %reduce_sum3A_164 = arith.constant true
        %reduce_sum3A_165 = vector.broadcast %reduce_sum3A_164 : i1 to vector<16xi1>
        %reduce_sum3A_166 = tpu.scan <sum>, %select_n3A_163 masked %reduce_sum3A_165 : vector<16xi32>, vector<16xi1> -> vector<16xi32>
        %reduce_sum3A_167 = vector.extract %reduce_sum3A_166[15] : i32 from vector<16xi32>
        %broadcast_in_dim3A_168 = vector.broadcast %reduce_sum3A_167 : i32 to vector<16xi32>
        %jit3A_169 = arith.constant 0 : i32
        %broadcast_in_dim3A_170 = vector.broadcast %jit3A_169 : i32 to vector<16xi32>
        %select_n3A_171 = arith.select %eq3A_160, %sub3A_151, %broadcast_in_dim3A_170 : vector<16xi1>, vector<16xi32>
        %reduce_sum3A_172 = arith.constant true
        %reduce_sum3A_173 = vector.broadcast %reduce_sum3A_172 : i1 to vector<16xi1>
        %reduce_sum3A_174 = tpu.scan <sum>, %select_n3A_171 masked %reduce_sum3A_173 : vector<16xi32>, vector<16xi1> -> vector<16xi32>
        %reduce_sum3A_175 = vector.extract %reduce_sum3A_174[15] : i32 from vector<16xi32>
        %broadcast_in_dim3A_176 = vector.broadcast %reduce_sum3A_175 : i32 to vector<16xi32>
        %mul3A_177 = arith.constant 16 : i32
        %mul3A_178 = arith.muli %scan3A_142, %mul3A_177 : i32
        %add3A_179 = vector.broadcast %mul3A_178 : i32 to vector<16xi32>
        %add3A_180 = arith.addi %add3A_179, %sub3A_159 : vector<16xi32>
        %select_n3A_181 = arith.select %gt3A_156, %add3A_180, %select_n3A_126 : vector<16xi1>, vector<16xi32>
        %select_n3A_182 = arith.select %gt3A_156, %broadcast_in_dim3A_176, %select_n3A_127 : vector<16xi1>, vector<16xi32>
        %select_n3A_183 = arith.select %gt3A_156, %broadcast_in_dim3A_168, %select_n3A_128 : vector<16xi1>, vector<16xi32>
        %eq3A_184 = arith.constant 15 : i32
        %eq3A_185 = vector.broadcast %eq3A_184 : i32 to vector<16xi32>
        %eq3A_186 = arith.cmpi eq, %iota3A, %eq3A_185 : vector<16xi32>
        %jit3A_187 = arith.constant 0 : i32
        %broadcast_in_dim3A_188 = vector.broadcast %jit3A_187 : i32 to vector<16xi32>
        %select_n3A_189 = arith.select %eq3A_186, %masked_cumsum3A_149, %broadcast_in_dim3A_188 : vector<16xi1>, vector<16xi32>
        %reduce_sum3A_190 = arith.constant true
        %reduce_sum3A_191 = vector.broadcast %reduce_sum3A_190 : i1 to vector<16xi1>
        %reduce_sum3A_192 = tpu.scan <sum>, %select_n3A_189 masked %reduce_sum3A_191 : vector<16xi32>, vector<16xi1> -> vector<16xi32>
        %reduce_sum3A_193 = vector.extract %reduce_sum3A_192[15] : i32 from vector<16xi32>
        %broadcast_in_dim3A_194 = vector.broadcast %reduce_sum3A_193 : i32 to vector<16xi32>
        %add3A_195 = arith.addi %add3A_140, %broadcast_in_dim3A_194 : vector<16xi32>
        %scan3A_196 = arith.constant 2 : i32
        %scan3A_197 = arith.addi %scan3A_91, %scan3A_196 : i32
        %mul3A_198 = arith.constant 16 : i32
        %mul3A_199 = arith.muli %scan3A_197, %mul3A_198 : i32
        %get3A_200 = arith.index_cast %mul3A_199 : i32 to index
        %get3A_201 = tpu.vector_load %arg7[%get3A_200] {strides = array<i32>} : memref<2048xi32, #tpu.memory_space<vmem>>, vector<16xi32>,
        %broadcast_in_dim3A_202 = arith.constant true
        %broadcast_in_dim3A_203 = vector.broadcast %broadcast_in_dim3A_202 : i1 to vector<16xi1>
        %masked_cumsum3A_204 = tpu.scan <sum>, %get3A_201 masked %broadcast_in_dim3A_203 : vector<16xi32>, vector<16xi1> -> vector<16xi32>
        %add3A_205 = arith.addi %add3A_195, %masked_cumsum3A_204 : vector<16xi32>
        %sub3A_206 = arith.subi %add3A_205, %get3A_201 : vector<16xi32>
        %le3A_207 = arith.cmpi sle, %sub3A_206, %sub3A_16 : vector<16xi32>
        %all_reduce_population_count3A_208 = tpu.all_reduce %le3A_207 {dim = 0 : i64, kind = #tpu.reduction_kind<sum>} : vector<16xi1> -> vector<16xi32>
        %gt3A_209 = arith.constant 0 : i32
        %gt3A_210 = vector.broadcast %gt3A_209 : i32 to vector<16xi32>
        %gt3A_211 = arith.cmpi sgt, %all_reduce_population_count3A_208, %gt3A_210 : vector<16xi32>
        %sub3A_212 = arith.constant 1 : i32
        %sub3A_213 = vector.broadcast %sub3A_212 : i32 to vector<16xi32>
        %sub3A_214 = arith.subi %all_reduce_population_count3A_208, %sub3A_213 : vector<16xi32>
        %eq3A_215 = arith.cmpi eq, %iota3A, %sub3A_214 : vector<16xi32>
        %jit3A_216 = arith.constant 0 : i32
        %broadcast_in_dim3A_217 = vector.broadcast %jit3A_216 : i32 to vector<16xi32>
        %select_n3A_218 = arith.select %eq3A_215, %get3A_201, %broadcast_in_dim3A_217 : vector<16xi1>, vector<16xi32>
        %reduce_sum3A_219 = arith.constant true
        %reduce_sum3A_220 = vector.broadcast %reduce_sum3A_219 : i1 to vector<16xi1>
        %reduce_sum3A_221 = tpu.scan <sum>, %select_n3A_218 masked %reduce_sum3A_220 : vector<16xi32>, vector<16xi1> -> vector<16xi32>
        %reduce_sum3A_222 = vector.extract %reduce_sum3A_221[15] : i32 from vector<16xi32>
        %broadcast_in_dim3A_223 = vector.broadcast %reduce_sum3A_222 : i32 to vector<16xi32>
        %jit3A_224 = arith.constant 0 : i32
        %broadcast_in_dim3A_225 = vector.broadcast %jit3A_224 : i32 to vector<16xi32>
        %select_n3A_226 = arith.select %eq3A_215, %sub3A_206, %broadcast_in_dim3A_225 : vector<16xi1>, vector<16xi32>
        %reduce_sum3A_227 = arith.constant true
        %reduce_sum3A_228 = vector.broadcast %reduce_sum3A_227 : i1 to vector<16xi1>
        %reduce_sum3A_229 = tpu.scan <sum>, %select_n3A_226 masked %reduce_sum3A_228 : vector<16xi32>, vector<16xi1> -> vector<16xi32>
        %reduce_sum3A_230 = vector.extract %reduce_sum3A_229[15] : i32 from vector<16xi32>
        %broadcast_in_dim3A_231 = vector.broadcast %reduce_sum3A_230 : i32 to vector<16xi32>
        %mul3A_232 = arith.constant 16 : i32
        %mul3A_233 = arith.muli %scan3A_197, %mul3A_232 : i32
        %add3A_234 = vector.broadcast %mul3A_233 : i32 to vector<16xi32>
        %add3A_235 = arith.addi %add3A_234, %sub3A_214 : vector<16xi32>
        %select_n3A_236 = arith.select %gt3A_211, %add3A_235, %select_n3A_181 : vector<16xi1>, vector<16xi32>
        %select_n3A_237 = arith.select %gt3A_211, %broadcast_in_dim3A_231, %select_n3A_182 : vector<16xi1>, vector<16xi32>
        %select_n3A_238 = arith.select %gt3A_211, %broadcast_in_dim3A_223, %select_n3A_183 : vector<16xi1>, vector<16xi32>
        %eq3A_239 = arith.constant 15 : i32
        %eq3A_240 = vector.broadcast %eq3A_239 : i32 to vector<16xi32>
        %eq3A_241 = arith.cmpi eq, %iota3A, %eq3A_240 : vector<16xi32>
        %jit3A_242 = arith.constant 0 : i32
        %broadcast_in_dim3A_243 = vector.broadcast %jit3A_242 : i32 to vector<16xi32>
        %select_n3A_244 = arith.select %eq3A_241, %masked_cumsum3A_204, %broadcast_in_dim3A_243 : vector<16xi1>, vector<16xi32>
        %reduce_sum3A_245 = arith.constant true
        %reduce_sum3A_246 = vector.broadcast %reduce_sum3A_245 : i1 to vector<16xi1>
        %reduce_sum3A_247 = tpu.scan <sum>, %select_n3A_244 masked %reduce_sum3A_246 : vector<16xi32>, vector<16xi1> -> vector<16xi32>
        %reduce_sum3A_248 = vector.extract %reduce_sum3A_247[15] : i32 from vector<16xi32>
        %broadcast_in_dim3A_249 = vector.broadcast %reduce_sum3A_248 : i32 to vector<16xi32>
        %add3A_250 = arith.addi %add3A_195, %broadcast_in_dim3A_249 : vector<16xi32>
        %scan3A_251 = arith.constant 3 : i32
        %scan3A_252 = arith.addi %scan3A_91, %scan3A_251 : i32
        %mul3A_253 = arith.constant 16 : i32
        %mul3A_254 = arith.muli %scan3A_252, %mul3A_253 : i32
        %get3A_255 = arith.index_cast %mul3A_254 : i32 to index
        %get3A_256 = tpu.vector_load %arg7[%get3A_255] {strides = array<i32>} : memref<2048xi32, #tpu.memory_space<vmem>>, vector<16xi32>,
        %broadcast_in_dim3A_257 = arith.constant true
        %broadcast_in_dim3A_258 = vector.broadcast %broadcast_in_dim3A_257 : i1 to vector<16xi1>
        %masked_cumsum3A_259 = tpu.scan <sum>, %get3A_256 masked %broadcast_in_dim3A_258 : vector<16xi32>, vector<16xi1> -> vector<16xi32>
        %add3A_260 = arith.addi %add3A_250, %masked_cumsum3A_259 : vector<16xi32>
        %sub3A_261 = arith.subi %add3A_260, %get3A_256 : vector<16xi32>
        %le3A_262 = arith.cmpi sle, %sub3A_261, %sub3A_16 : vector<16xi32>
        %all_reduce_population_count3A_263 = tpu.all_reduce %le3A_262 {dim = 0 : i64, kind = #tpu.reduction_kind<sum>} : vector<16xi1> -> vector<16xi32>
        %gt3A_264 = arith.constant 0 : i32
        %gt3A_265 = vector.broadcast %gt3A_264 : i32 to vector<16xi32>
        %gt3A_266 = arith.cmpi sgt, %all_reduce_population_count3A_263, %gt3A_265 : vector<16xi32>
        %sub3A_267 = arith.constant 1 : i32
        %sub3A_268 = vector.broadcast %sub3A_267 : i32 to vector<16xi32>
        %sub3A_269 = arith.subi %all_reduce_population_count3A_263, %sub3A_268 : vector<16xi32>
        %eq3A_270 = arith.cmpi eq, %iota3A, %sub3A_269 : vector<16xi32>
        %jit3A_271 = arith.constant 0 : i32
        %broadcast_in_dim3A_272 = vector.broadcast %jit3A_271 : i32 to vector<16xi32>
        %select_n3A_273 = arith.select %eq3A_270, %get3A_256, %broadcast_in_dim3A_272 : vector<16xi1>, vector<16xi32>
        %reduce_sum3A_274 = arith.constant true
        %reduce_sum3A_275 = vector.broadcast %reduce_sum3A_274 : i1 to vector<16xi1>
        %reduce_sum3A_276 = tpu.scan <sum>, %select_n3A_273 masked %reduce_sum3A_275 : vector<16xi32>, vector<16xi1> -> vector<16xi32>
        %reduce_sum3A_277 = vector.extract %reduce_sum3A_276[15] : i32 from vector<16xi32>
        %broadcast_in_dim3A_278 = vector.broadcast %reduce_sum3A_277 : i32 to vector<16xi32>
        %jit3A_279 = arith.constant 0 : i32
        %broadcast_in_dim3A_280 = vector.broadcast %jit3A_279 : i32 to vector<16xi32>
        %select_n3A_281 = arith.select %eq3A_270, %sub3A_261, %broadcast_in_dim3A_280 : vector<16xi1>, vector<16xi32>
        %reduce_sum3A_282 = arith.constant true
        %reduce_sum3A_283 = vector.broadcast %reduce_sum3A_282 : i1 to vector<16xi1>
        %reduce_sum3A_284 = tpu.scan <sum>, %select_n3A_281 masked %reduce_sum3A_283 : vector<16xi32>, vector<16xi1> -> vector<16xi32>
        %reduce_sum3A_285 = vector.extract %reduce_sum3A_284[15] : i32 from vector<16xi32>
        %broadcast_in_dim3A_286 = vector.broadcast %reduce_sum3A_285 : i32 to vector<16xi32>
        %mul3A_287 = arith.constant 16 : i32
        %mul3A_288 = arith.muli %scan3A_252, %mul3A_287 : i32
        %add3A_289 = vector.broadcast %mul3A_288 : i32 to vector<16xi32>
        %add3A_290 = arith.addi %add3A_289, %sub3A_269 : vector<16xi32>
        %select_n3A_291 = arith.select %gt3A_266, %add3A_290, %select_n3A_236 : vector<16xi1>, vector<16xi32>
        %select_n3A_292 = arith.select %gt3A_266, %broadcast_in_dim3A_286, %select_n3A_237 : vector<16xi1>, vector<16xi32>
        %select_n3A_293 = arith.select %gt3A_266, %broadcast_in_dim3A_278, %select_n3A_238 : vector<16xi1>, vector<16xi32>
        %eq3A_294 = arith.constant 15 : i32
        %eq3A_295 = vector.broadcast %eq3A_294 : i32 to vector<16xi32>
        %eq3A_296 = arith.cmpi eq, %iota3A, %eq3A_295 : vector<16xi32>
        %jit3A_297 = arith.constant 0 : i32
        %broadcast_in_dim3A_298 = vector.broadcast %jit3A_297 : i32 to vector<16xi32>
        %select_n3A_299 = arith.select %eq3A_296, %masked_cumsum3A_259, %broadcast_in_dim3A_298 : vector<16xi1>, vector<16xi32>
        %reduce_sum3A_300 = arith.constant true
        %reduce_sum3A_301 = vector.broadcast %reduce_sum3A_300 : i1 to vector<16xi1>
        %reduce_sum3A_302 = tpu.scan <sum>, %select_n3A_299 masked %reduce_sum3A_301 : vector<16xi32>, vector<16xi1> -> vector<16xi32>
        %reduce_sum3A_303 = vector.extract %reduce_sum3A_302[15] : i32 from vector<16xi32>
        %broadcast_in_dim3A_304 = vector.broadcast %reduce_sum3A_303 : i32 to vector<16xi32>
        %add3A_305 = arith.addi %add3A_250, %broadcast_in_dim3A_304 : vector<16xi32>
        scf.yield %add3A_305, %select_n3A_291, %select_n3A_292, %select_n3A_293 : vector<16xi32>, vector<16xi32>, vector<16xi32>, vector<16xi32>
      }
      %scan3A_24 = arith.constant 128 : i32
      %add3A = arith.addi %scan3A_23#2, %scan3A_23#3 : vector<16xi32>
      %sub3A_25 = arith.constant 32768 : i32
      %sub3A_26 = vector.broadcast %sub3A_25 : i32 to vector<16xi32>
      %sub3A_27 = arith.subi %sub3A_26, %add3A : vector<16xi32>
      %sub3A_28 = arith.subi %get3A_2, %sub3A_27 : vector<16xi32>
      %scan3A_29 = arith.constant 0 : i32
      %scan3A_30 = arith.constant 0 : i32
      %scan3A_31 = arith.constant 64 : i32
      %scan3A_32 = arith.addi %scan3A_30, %scan3A_31 : i32
      %scan3A_33 = arith.constant 8 : i32
      scf.for %scan3A_91 = %scan3A_30 to %scan3A_32 step %scan3A_33  : i32 {
        %broadcast_in_dim3A_92 = arith.constant 0 : i32
        %broadcast_in_dim3A_93 = vector.broadcast %broadcast_in_dim3A_92 : i32 to vector<16xi32>
        %mul3A = arith.constant 16 : i32
        %mul3A_94 = arith.muli %scan3A_91, %mul3A : i32
        %swap3A_95 = arith.index_cast %mul3A_94 : i32 to index
        %swap3A_96 = tpu.vector_load %arg7[%swap3A_95] {strides = array<i32>} : memref<2048xi32, #tpu.memory_space<vmem>>, vector<16xi32>,
        tpu.vector_store %arg7[%swap3A_95], %broadcast_in_dim3A_93 {strides = array<i32>} : memref<2048xi32, #tpu.memory_space<vmem>>, vector<16xi32>,
        %scan3A_97 = arith.constant 1 : i32
        %scan3A_98 = arith.addi %scan3A_91, %scan3A_97 : i32
        %broadcast_in_dim3A_99 = arith.constant 0 : i32
        %broadcast_in_dim3A_100 = vector.broadcast %broadcast_in_dim3A_99 : i32 to vector<16xi32>
        %mul3A_101 = arith.constant 16 : i32
        %mul3A_102 = arith.muli %scan3A_98, %mul3A_101 : i32
        %swap3A_103 = arith.index_cast %mul3A_102 : i32 to index
        %swap3A_104 = tpu.vector_load %arg7[%swap3A_103] {strides = array<i32>} : memref<2048xi32, #tpu.memory_space<vmem>>, vector<16xi32>,
        tpu.vector_store %arg7[%swap3A_103], %broadcast_in_dim3A_100 {strides = array<i32>} : memref<2048xi32, #tpu.memory_space<vmem>>, vector<16xi32>,
        %scan3A_105 = arith.constant 2 : i32
        %scan3A_106 = arith.addi %scan3A_91, %scan3A_105 : i32
        %broadcast_in_dim3A_107 = arith.constant 0 : i32
        %broadcast_in_dim3A_108 = vector.broadcast %broadcast_in_dim3A_107 : i32 to vector<16xi32>
        %mul3A_109 = arith.constant 16 : i32
        %mul3A_110 = arith.muli %scan3A_106, %mul3A_109 : i32
        %swap3A_111 = arith.index_cast %mul3A_110 : i32 to index
        %swap3A_112 = tpu.vector_load %arg7[%swap3A_111] {strides = array<i32>} : memref<2048xi32, #tpu.memory_space<vmem>>, vector<16xi32>,
        tpu.vector_store %arg7[%swap3A_111], %broadcast_in_dim3A_108 {strides = array<i32>} : memref<2048xi32, #tpu.memory_space<vmem>>, vector<16xi32>,
        %scan3A_113 = arith.constant 3 : i32
        %scan3A_114 = arith.addi %scan3A_91, %scan3A_113 : i32
        %broadcast_in_dim3A_115 = arith.constant 0 : i32
        %broadcast_in_dim3A_116 = vector.broadcast %broadcast_in_dim3A_115 : i32 to vector<16xi32>
        %mul3A_117 = arith.constant 16 : i32
        %mul3A_118 = arith.muli %scan3A_114, %mul3A_117 : i32
        %swap3A_119 = arith.index_cast %mul3A_118 : i32 to index
        %swap3A_120 = tpu.vector_load %arg7[%swap3A_119] {strides = array<i32>} : memref<2048xi32, #tpu.memory_space<vmem>>, vector<16xi32>,
        tpu.vector_store %arg7[%swap3A_119], %broadcast_in_dim3A_116 {strides = array<i32>} : memref<2048xi32, #tpu.memory_space<vmem>>, vector<16xi32>,
        %scan3A_121 = arith.constant 4 : i32
        %scan3A_122 = arith.addi %scan3A_91, %scan3A_121 : i32
        %broadcast_in_dim3A_123 = arith.constant 0 : i32
        %broadcast_in_dim3A_124 = vector.broadcast %broadcast_in_dim3A_123 : i32 to vector<16xi32>
        %mul3A_125 = arith.constant 16 : i32
        %mul3A_126 = arith.muli %scan3A_122, %mul3A_125 : i32
        %swap3A_127 = arith.index_cast %mul3A_126 : i32 to index
        %swap3A_128 = tpu.vector_load %arg7[%swap3A_127] {strides = array<i32>} : memref<2048xi32, #tpu.memory_space<vmem>>, vector<16xi32>,
        tpu.vector_store %arg7[%swap3A_127], %broadcast_in_dim3A_124 {strides = array<i32>} : memref<2048xi32, #tpu.memory_space<vmem>>, vector<16xi32>,
        %scan3A_129 = arith.constant 5 : i32
        %scan3A_130 = arith.addi %scan3A_91, %scan3A_129 : i32
        %broadcast_in_dim3A_131 = arith.constant 0 : i32
        %broadcast_in_dim3A_132 = vector.broadcast %broadcast_in_dim3A_131 : i32 to vector<16xi32>
        %mul3A_133 = arith.constant 16 : i32
        %mul3A_134 = arith.muli %scan3A_130, %mul3A_133 : i32
        %swap3A_135 = arith.index_cast %mul3A_134 : i32 to index
        %swap3A_136 = tpu.vector_load %arg7[%swap3A_135] {strides = array<i32>} : memref<2048xi32, #tpu.memory_space<vmem>>, vector<16xi32>,
        tpu.vector_store %arg7[%swap3A_135], %broadcast_in_dim3A_132 {strides = array<i32>} : memref<2048xi32, #tpu.memory_space<vmem>>, vector<16xi32>,
        %scan3A_137 = arith.constant 6 : i32
        %scan3A_138 = arith.addi %scan3A_91, %scan3A_137 : i32
        %broadcast_in_dim3A_139 = arith.constant 0 : i32
        %broadcast_in_dim3A_140 = vector.broadcast %broadcast_in_dim3A_139 : i32 to vector<16xi32>
        %mul3A_141 = arith.constant 16 : i32
        %mul3A_142 = arith.muli %scan3A_138, %mul3A_141 : i32
        %swap3A_143 = arith.index_cast %mul3A_142 : i32 to index
        %swap3A_144 = tpu.vector_load %arg7[%swap3A_143] {strides = array<i32>} : memref<2048xi32, #tpu.memory_space<vmem>>, vector<16xi32>,
        tpu.vector_store %arg7[%swap3A_143], %broadcast_in_dim3A_140 {strides = array<i32>} : memref<2048xi32, #tpu.memory_space<vmem>>, vector<16xi32>,
        %scan3A_145 = arith.constant 7 : i32
        %scan3A_146 = arith.addi %scan3A_91, %scan3A_145 : i32
        %broadcast_in_dim3A_147 = arith.constant 0 : i32
        %broadcast_in_dim3A_148 = vector.broadcast %broadcast_in_dim3A_147 : i32 to vector<16xi32>
        %mul3A_149 = arith.constant 16 : i32
        %mul3A_150 = arith.muli %scan3A_146, %mul3A_149 : i32
        %swap3A_151 = arith.index_cast %mul3A_150 : i32 to index
        %swap3A_152 = tpu.vector_load %arg7[%swap3A_151] {strides = array<i32>} : memref<2048xi32, #tpu.memory_space<vmem>>, vector<16xi32>,
        tpu.vector_store %arg7[%swap3A_151], %broadcast_in_dim3A_148 {strides = array<i32>} : memref<2048xi32, #tpu.memory_space<vmem>>, vector<16xi32>,
      }
      %scan3A_34 = arith.constant 64 : i32
      %broadcast_in_dim3A_35 = arith.constant 1 : i32
      %broadcast_in_dim3A_36 = vector.broadcast %broadcast_in_dim3A_35 : i32 to vector<16xi32>
      %scan3A_37 = arith.constant 0 : i32
      %scan3A_38 = arith.constant 0 : i32
      %scan3A_39 = arith.constant 2048 : i32
      %scan3A_40 = arith.addi %scan3A_38, %scan3A_39 : i32
      %scan3A_41 = arith.constant 8 : i32
      scf.for %scan3A_91 = %scan3A_38 to %scan3A_40 step %scan3A_41  : i32 {
        %mul3A = arith.constant 16 : i32
        %mul3A_92 = arith.muli %scan3A_91, %mul3A : i32
        %get3A_93 = arith.index_cast %mul3A_92 : i32 to index
        %get3A_94 = tpu.vector_load %arg5[%get3A_93] {strides = array<i32>} : memref<32768xf32, #tpu.memory_space<vmem>>, vector<16xf32>,
        %bitcast3A_95 = vector.bitcast %get3A_94 : vector<16xf32> to vector<16xi32>
        %shift_right_logical3A = arith.constant 20 : i32
        %shift_right_logical3A_96 = vector.broadcast %shift_right_logical3A : i32 to vector<16xi32>
        %shift_right_logical3A_97 = arith.shrui %bitcast3A_95, %shift_right_logical3A_96 : vector<16xi32>
        %eq3A_98 = arith.cmpi eq, %shift_right_logical3A_97, %scan3A_23#1 : vector<16xi32>
        %shift_right_logical3A_99 = arith.constant 10 : i32
        %shift_right_logical3A_100 = vector.broadcast %shift_right_logical3A_99 : i32 to vector<16xi32>
        %shift_right_logical3A_101 = arith.shrui %bitcast3A_95, %shift_right_logical3A_100 : vector<16xi32>
        %and3A = arith.constant 1023 : i32
        %and3A_102 = vector.broadcast %and3A : i32 to vector<16xi32>
        %and3A_103 = arith.andi %shift_right_logical3A_101, %and3A_102 : vector<16xi32>
        tpu.vector_store_idx %arg7[%and3A_103], %broadcast_in_dim3A_36 masked %eq3A_98 {add = true} : memref<2048xi32, #tpu.memory_space<vmem>>[vector<16xi32>], vector<16xi32>, vector<16xi1>
        %scan3A_104 = arith.constant 1 : i32
        %scan3A_105 = arith.addi %scan3A_91, %scan3A_104 : i32
        %mul3A_106 = arith.constant 16 : i32
        %mul3A_107 = arith.muli %scan3A_105, %mul3A_106 : i32
        %get3A_108 = arith.index_cast %mul3A_107 : i32 to index
        %get3A_109 = tpu.vector_load %arg5[%get3A_108] {strides = array<i32>} : memref<32768xf32, #tpu.memory_space<vmem>>, vector<16xf32>,
        %bitcast3A_110 = vector.bitcast %get3A_109 : vector<16xf32> to vector<16xi32>
        %shift_right_logical3A_111 = arith.constant 20 : i32
        %shift_right_logical3A_112 = vector.broadcast %shift_right_logical3A_111 : i32 to vector<16xi32>
        %shift_right_logical3A_113 = arith.shrui %bitcast3A_110, %shift_right_logical3A_112 : vector<16xi32>
        %eq3A_114 = arith.cmpi eq, %shift_right_logical3A_113, %scan3A_23#1 : vector<16xi32>
        %shift_right_logical3A_115 = arith.constant 10 : i32
        %shift_right_logical3A_116 = vector.broadcast %shift_right_logical3A_115 : i32 to vector<16xi32>
        %shift_right_logical3A_117 = arith.shrui %bitcast3A_110, %shift_right_logical3A_116 : vector<16xi32>
        %and3A_118 = arith.constant 1023 : i32
        %and3A_119 = vector.broadcast %and3A_118 : i32 to vector<16xi32>
        %and3A_120 = arith.andi %shift_right_logical3A_117, %and3A_119 : vector<16xi32>
        tpu.vector_store_idx %arg7[%and3A_120], %broadcast_in_dim3A_36 masked %eq3A_114 {add = true} : memref<2048xi32, #tpu.memory_space<vmem>>[vector<16xi32>], vector<16xi32>, vector<16xi1>
        %scan3A_121 = arith.constant 2 : i32
        %scan3A_122 = arith.addi %scan3A_91, %scan3A_121 : i32
        %mul3A_123 = arith.constant 16 : i32
        %mul3A_124 = arith.muli %scan3A_122, %mul3A_123 : i32
        %get3A_125 = arith.index_cast %mul3A_124 : i32 to index
        %get3A_126 = tpu.vector_load %arg5[%get3A_125] {strides = array<i32>} : memref<32768xf32, #tpu.memory_space<vmem>>, vector<16xf32>,
        %bitcast3A_127 = vector.bitcast %get3A_126 : vector<16xf32> to vector<16xi32>
        %shift_right_logical3A_128 = arith.constant 20 : i32
        %shift_right_logical3A_129 = vector.broadcast %shift_right_logical3A_128 : i32 to vector<16xi32>
        %shift_right_logical3A_130 = arith.shrui %bitcast3A_127, %shift_right_logical3A_129 : vector<16xi32>
        %eq3A_131 = arith.cmpi eq, %shift_right_logical3A_130, %scan3A_23#1 : vector<16xi32>
        %shift_right_logical3A_132 = arith.constant 10 : i32
        %shift_right_logical3A_133 = vector.broadcast %shift_right_logical3A_132 : i32 to vector<16xi32>
        %shift_right_logical3A_134 = arith.shrui %bitcast3A_127, %shift_right_logical3A_133 : vector<16xi32>
        %and3A_135 = arith.constant 1023 : i32
        %and3A_136 = vector.broadcast %and3A_135 : i32 to vector<16xi32>
        %and3A_137 = arith.andi %shift_right_logical3A_134, %and3A_136 : vector<16xi32>
        tpu.vector_store_idx %arg7[%and3A_137], %broadcast_in_dim3A_36 masked %eq3A_131 {add = true} : memref<2048xi32, #tpu.memory_space<vmem>>[vector<16xi32>], vector<16xi32>, vector<16xi1>
        %scan3A_138 = arith.constant 3 : i32
        %scan3A_139 = arith.addi %scan3A_91, %scan3A_138 : i32
        %mul3A_140 = arith.constant 16 : i32
        %mul3A_141 = arith.muli %scan3A_139, %mul3A_140 : i32
        %get3A_142 = arith.index_cast %mul3A_141 : i32 to index
        %get3A_143 = tpu.vector_load %arg5[%get3A_142] {strides = array<i32>} : memref<32768xf32, #tpu.memory_space<vmem>>, vector<16xf32>,
        %bitcast3A_144 = vector.bitcast %get3A_143 : vector<16xf32> to vector<16xi32>
        %shift_right_logical3A_145 = arith.constant 20 : i32
        %shift_right_logical3A_146 = vector.broadcast %shift_right_logical3A_145 : i32 to vector<16xi32>
        %shift_right_logical3A_147 = arith.shrui %bitcast3A_144, %shift_right_logical3A_146 : vector<16xi32>
        %eq3A_148 = arith.cmpi eq, %shift_right_logical3A_147, %scan3A_23#1 : vector<16xi32>
        %shift_right_logical3A_149 = arith.constant 10 : i32
        %shift_right_logical3A_150 = vector.broadcast %shift_right_logical3A_149 : i32 to vector<16xi32>
        %shift_right_logical3A_151 = arith.shrui %bitcast3A_144, %shift_right_logical3A_150 : vector<16xi32>
        %and3A_152 = arith.constant 1023 : i32
        %and3A_153 = vector.broadcast %and3A_152 : i32 to vector<16xi32>
        %and3A_154 = arith.andi %shift_right_logical3A_151, %and3A_153 : vector<16xi32>
        tpu.vector_store_idx %arg7[%and3A_154], %broadcast_in_dim3A_36 masked %eq3A_148 {add = true} : memref<2048xi32, #tpu.memory_space<vmem>>[vector<16xi32>], vector<16xi32>, vector<16xi1>
        %scan3A_155 = arith.constant 4 : i32
        %scan3A_156 = arith.addi %scan3A_91, %scan3A_155 : i32
        %mul3A_157 = arith.constant 16 : i32
        %mul3A_158 = arith.muli %scan3A_156, %mul3A_157 : i32
        %get3A_159 = arith.index_cast %mul3A_158 : i32 to index
        %get3A_160 = tpu.vector_load %arg5[%get3A_159] {strides = array<i32>} : memref<32768xf32, #tpu.memory_space<vmem>>, vector<16xf32>,
        %bitcast3A_161 = vector.bitcast %get3A_160 : vector<16xf32> to vector<16xi32>
        %shift_right_logical3A_162 = arith.constant 20 : i32
        %shift_right_logical3A_163 = vector.broadcast %shift_right_logical3A_162 : i32 to vector<16xi32>
        %shift_right_logical3A_164 = arith.shrui %bitcast3A_161, %shift_right_logical3A_163 : vector<16xi32>
        %eq3A_165 = arith.cmpi eq, %shift_right_logical3A_164, %scan3A_23#1 : vector<16xi32>
        %shift_right_logical3A_166 = arith.constant 10 : i32
        %shift_right_logical3A_167 = vector.broadcast %shift_right_logical3A_166 : i32 to vector<16xi32>
        %shift_right_logical3A_168 = arith.shrui %bitcast3A_161, %shift_right_logical3A_167 : vector<16xi32>
        %and3A_169 = arith.constant 1023 : i32
        %and3A_170 = vector.broadcast %and3A_169 : i32 to vector<16xi32>
        %and3A_171 = arith.andi %shift_right_logical3A_168, %and3A_170 : vector<16xi32>
        tpu.vector_store_idx %arg7[%and3A_171], %broadcast_in_dim3A_36 masked %eq3A_165 {add = true} : memref<2048xi32, #tpu.memory_space<vmem>>[vector<16xi32>], vector<16xi32>, vector<16xi1>
        %scan3A_172 = arith.constant 5 : i32
        %scan3A_173 = arith.addi %scan3A_91, %scan3A_172 : i32
        %mul3A_174 = arith.constant 16 : i32
        %mul3A_175 = arith.muli %scan3A_173, %mul3A_174 : i32
        %get3A_176 = arith.index_cast %mul3A_175 : i32 to index
        %get3A_177 = tpu.vector_load %arg5[%get3A_176] {strides = array<i32>} : memref<32768xf32, #tpu.memory_space<vmem>>, vector<16xf32>,
        %bitcast3A_178 = vector.bitcast %get3A_177 : vector<16xf32> to vector<16xi32>
        %shift_right_logical3A_179 = arith.constant 20 : i32
        %shift_right_logical3A_180 = vector.broadcast %shift_right_logical3A_179 : i32 to vector<16xi32>
        %shift_right_logical3A_181 = arith.shrui %bitcast3A_178, %shift_right_logical3A_180 : vector<16xi32>
        %eq3A_182 = arith.cmpi eq, %shift_right_logical3A_181, %scan3A_23#1 : vector<16xi32>
        %shift_right_logical3A_183 = arith.constant 10 : i32
        %shift_right_logical3A_184 = vector.broadcast %shift_right_logical3A_183 : i32 to vector<16xi32>
        %shift_right_logical3A_185 = arith.shrui %bitcast3A_178, %shift_right_logical3A_184 : vector<16xi32>
        %and3A_186 = arith.constant 1023 : i32
        %and3A_187 = vector.broadcast %and3A_186 : i32 to vector<16xi32>
        %and3A_188 = arith.andi %shift_right_logical3A_185, %and3A_187 : vector<16xi32>
        tpu.vector_store_idx %arg7[%and3A_188], %broadcast_in_dim3A_36 masked %eq3A_182 {add = true} : memref<2048xi32, #tpu.memory_space<vmem>>[vector<16xi32>], vector<16xi32>, vector<16xi1>
        %scan3A_189 = arith.constant 6 : i32
        %scan3A_190 = arith.addi %scan3A_91, %scan3A_189 : i32
        %mul3A_191 = arith.constant 16 : i32
        %mul3A_192 = arith.muli %scan3A_190, %mul3A_191 : i32
        %get3A_193 = arith.index_cast %mul3A_192 : i32 to index
        %get3A_194 = tpu.vector_load %arg5[%get3A_193] {strides = array<i32>} : memref<32768xf32, #tpu.memory_space<vmem>>, vector<16xf32>,
        %bitcast3A_195 = vector.bitcast %get3A_194 : vector<16xf32> to vector<16xi32>
        %shift_right_logical3A_196 = arith.constant 20 : i32
        %shift_right_logical3A_197 = vector.broadcast %shift_right_logical3A_196 : i32 to vector<16xi32>
        %shift_right_logical3A_198 = arith.shrui %bitcast3A_195, %shift_right_logical3A_197 : vector<16xi32>
        %eq3A_199 = arith.cmpi eq, %shift_right_logical3A_198, %scan3A_23#1 : vector<16xi32>
        %shift_right_logical3A_200 = arith.constant 10 : i32
        %shift_right_logical3A_201 = vector.broadcast %shift_right_logical3A_200 : i32 to vector<16xi32>
        %shift_right_logical3A_202 = arith.shrui %bitcast3A_195, %shift_right_logical3A_201 : vector<16xi32>
        %and3A_203 = arith.constant 1023 : i32
        %and3A_204 = vector.broadcast %and3A_203 : i32 to vector<16xi32>
        %and3A_205 = arith.andi %shift_right_logical3A_202, %and3A_204 : vector<16xi32>
        tpu.vector_store_idx %arg7[%and3A_205], %broadcast_in_dim3A_36 masked %eq3A_199 {add = true} : memref<2048xi32, #tpu.memory_space<vmem>>[vector<16xi32>], vector<16xi32>, vector<16xi1>
        %scan3A_206 = arith.constant 7 : i32
        %scan3A_207 = arith.addi %scan3A_91, %scan3A_206 : i32
        %mul3A_208 = arith.constant 16 : i32
        %mul3A_209 = arith.muli %scan3A_207, %mul3A_208 : i32
        %get3A_210 = arith.index_cast %mul3A_209 : i32 to index
        %get3A_211 = tpu.vector_load %arg5[%get3A_210] {strides = array<i32>} : memref<32768xf32, #tpu.memory_space<vmem>>, vector<16xf32>,
        %bitcast3A_212 = vector.bitcast %get3A_211 : vector<16xf32> to vector<16xi32>
        %shift_right_logical3A_213 = arith.constant 20 : i32
        %shift_right_logical3A_214 = vector.broadcast %shift_right_logical3A_213 : i32 to vector<16xi32>
        %shift_right_logical3A_215 = arith.shrui %bitcast3A_212, %shift_right_logical3A_214 : vector<16xi32>
        %eq3A_216 = arith.cmpi eq, %shift_right_logical3A_215, %scan3A_23#1 : vector<16xi32>
        %shift_right_logical3A_217 = arith.constant 10 : i32
        %shift_right_logical3A_218 = vector.broadcast %shift_right_logical3A_217 : i32 to vector<16xi32>
        %shift_right_logical3A_219 = arith.shrui %bitcast3A_212, %shift_right_logical3A_218 : vector<16xi32>
        %and3A_220 = arith.constant 1023 : i32
        %and3A_221 = vector.broadcast %and3A_220 : i32 to vector<16xi32>
        %and3A_222 = arith.andi %shift_right_logical3A_219, %and3A_221 : vector<16xi32>
        tpu.vector_store_idx %arg7[%and3A_222], %broadcast_in_dim3A_36 masked %eq3A_216 {add = true} : memref<2048xi32, #tpu.memory_space<vmem>>[vector<16xi32>], vector<16xi32>, vector<16xi1>
      }
      %scan3A_42 = arith.constant 2048 : i32
      %sub3A_43 = arith.subi %scan3A_23#3, %sub3A_28 : vector<16xi32>
      %iota3A_44 = tpu.iota {dimensions = array<i32: 0>} : vector<16xi32>
      %broadcast_in_dim3A_45 = arith.constant 0 : i32
      %broadcast_in_dim3A_46 = vector.broadcast %broadcast_in_dim3A_45 : i32 to vector<16xi32>
      %scan3A_47 = arith.constant 0 : i32
      %scan3A_48 = arith.constant 64 : i32
      %scan3A_49 = arith.addi %scan3A_47, %scan3A_48 : i32
      %scan3A_50 = arith.constant 4 : i32
      %scan3A_51:4 = scf.for %scan3A_91 = %scan3A_47 to %scan3A_49 step %scan3A_50 iter_args(%scan3A_92 = %broadcast_in_dim3A_46, %scan3A_93 = %broadcast_in_dim3A_46, %scan3A_94 = %broadcast_in_dim3A_46, %scan3A_95 = %broadcast_in_dim3A_46) -> (vector<16xi32>, vector<16xi32>, vector<16xi32>, vector<16xi32>)  : i32 {
        %mul3A = arith.constant 16 : i32
        %mul3A_96 = arith.muli %scan3A_91, %mul3A : i32
        %get3A_97 = arith.index_cast %mul3A_96 : i32 to index
        %get3A_98 = tpu.vector_load %arg7[%get3A_97] {strides = array<i32>} : memref<2048xi32, #tpu.memory_space<vmem>>, vector<16xi32>,
        %broadcast_in_dim3A_99 = arith.constant true
        %broadcast_in_dim3A_100 = vector.broadcast %broadcast_in_dim3A_99 : i1 to vector<16xi1>
        %masked_cumsum3A = tpu.scan <sum>, %get3A_98 masked %broadcast_in_dim3A_100 : vector<16xi32>, vector<16xi1> -> vector<16xi32>
        %add3A_101 = arith.addi %scan3A_92, %masked_cumsum3A : vector<16xi32>
        %sub3A_102 = arith.subi %add3A_101, %get3A_98 : vector<16xi32>
        %le3A = arith.cmpi sle, %sub3A_102, %sub3A_43 : vector<16xi32>
        %all_reduce_population_count3A = tpu.all_reduce %le3A {dim = 0 : i64, kind = #tpu.reduction_kind<sum>} : vector<16xi1> -> vector<16xi32>
        %gt3A = arith.constant 0 : i32
        %gt3A_103 = vector.broadcast %gt3A : i32 to vector<16xi32>
        %gt3A_104 = arith.cmpi sgt, %all_reduce_population_count3A, %gt3A_103 : vector<16xi32>
        %sub3A_105 = arith.constant 1 : i32
        %sub3A_106 = vector.broadcast %sub3A_105 : i32 to vector<16xi32>
        %sub3A_107 = arith.subi %all_reduce_population_count3A, %sub3A_106 : vector<16xi32>
        %eq3A_108 = arith.cmpi eq, %iota3A_44, %sub3A_107 : vector<16xi32>
        %jit3A = arith.constant 0 : i32
        %broadcast_in_dim3A_109 = vector.broadcast %jit3A : i32 to vector<16xi32>
        %select_n3A = arith.select %eq3A_108, %get3A_98, %broadcast_in_dim3A_109 : vector<16xi1>, vector<16xi32>
        %reduce_sum3A = arith.constant true
        %reduce_sum3A_110 = vector.broadcast %reduce_sum3A : i1 to vector<16xi1>
        %reduce_sum3A_111 = tpu.scan <sum>, %select_n3A masked %reduce_sum3A_110 : vector<16xi32>, vector<16xi1> -> vector<16xi32>
        %reduce_sum3A_112 = vector.extract %reduce_sum3A_111[15] : i32 from vector<16xi32>
        %broadcast_in_dim3A_113 = vector.broadcast %reduce_sum3A_112 : i32 to vector<16xi32>
        %jit3A_114 = arith.constant 0 : i32
        %broadcast_in_dim3A_115 = vector.broadcast %jit3A_114 : i32 to vector<16xi32>
        %select_n3A_116 = arith.select %eq3A_108, %sub3A_102, %broadcast_in_dim3A_115 : vector<16xi1>, vector<16xi32>
        %reduce_sum3A_117 = arith.constant true
        %reduce_sum3A_118 = vector.broadcast %reduce_sum3A_117 : i1 to vector<16xi1>
        %reduce_sum3A_119 = tpu.scan <sum>, %select_n3A_116 masked %reduce_sum3A_118 : vector<16xi32>, vector<16xi1> -> vector<16xi32>
        %reduce_sum3A_120 = vector.extract %reduce_sum3A_119[15] : i32 from vector<16xi32>
        %broadcast_in_dim3A_121 = vector.broadcast %reduce_sum3A_120 : i32 to vector<16xi32>
        %mul3A_122 = arith.constant 16 : i32
        %mul3A_123 = arith.muli %scan3A_91, %mul3A_122 : i32
        %add3A_124 = vector.broadcast %mul3A_123 : i32 to vector<16xi32>
        %add3A_125 = arith.addi %add3A_124, %sub3A_107 : vector<16xi32>
        %select_n3A_126 = arith.select %gt3A_104, %add3A_125, %scan3A_93 : vector<16xi1>, vector<16xi32>
        %select_n3A_127 = arith.select %gt3A_104, %broadcast_in_dim3A_121, %scan3A_94 : vector<16xi1>, vector<16xi32>
        %select_n3A_128 = arith.select %gt3A_104, %broadcast_in_dim3A_113, %scan3A_95 : vector<16xi1>, vector<16xi32>
        %eq3A_129 = arith.constant 15 : i32
        %eq3A_130 = vector.broadcast %eq3A_129 : i32 to vector<16xi32>
        %eq3A_131 = arith.cmpi eq, %iota3A_44, %eq3A_130 : vector<16xi32>
        %jit3A_132 = arith.constant 0 : i32
        %broadcast_in_dim3A_133 = vector.broadcast %jit3A_132 : i32 to vector<16xi32>
        %select_n3A_134 = arith.select %eq3A_131, %masked_cumsum3A, %broadcast_in_dim3A_133 : vector<16xi1>, vector<16xi32>
        %reduce_sum3A_135 = arith.constant true
        %reduce_sum3A_136 = vector.broadcast %reduce_sum3A_135 : i1 to vector<16xi1>
        %reduce_sum3A_137 = tpu.scan <sum>, %select_n3A_134 masked %reduce_sum3A_136 : vector<16xi32>, vector<16xi1> -> vector<16xi32>
        %reduce_sum3A_138 = vector.extract %reduce_sum3A_137[15] : i32 from vector<16xi32>
        %broadcast_in_dim3A_139 = vector.broadcast %reduce_sum3A_138 : i32 to vector<16xi32>
        %add3A_140 = arith.addi %scan3A_92, %broadcast_in_dim3A_139 : vector<16xi32>
        %scan3A_141 = arith.constant 1 : i32
        %scan3A_142 = arith.addi %scan3A_91, %scan3A_141 : i32
        %mul3A_143 = arith.constant 16 : i32
        %mul3A_144 = arith.muli %scan3A_142, %mul3A_143 : i32
        %get3A_145 = arith.index_cast %mul3A_144 : i32 to index
        %get3A_146 = tpu.vector_load %arg7[%get3A_145] {strides = array<i32>} : memref<2048xi32, #tpu.memory_space<vmem>>, vector<16xi32>,
        %broadcast_in_dim3A_147 = arith.constant true
        %broadcast_in_dim3A_148 = vector.broadcast %broadcast_in_dim3A_147 : i1 to vector<16xi1>
        %masked_cumsum3A_149 = tpu.scan <sum>, %get3A_146 masked %broadcast_in_dim3A_148 : vector<16xi32>, vector<16xi1> -> vector<16xi32>
        %add3A_150 = arith.addi %add3A_140, %masked_cumsum3A_149 : vector<16xi32>
        %sub3A_151 = arith.subi %add3A_150, %get3A_146 : vector<16xi32>
        %le3A_152 = arith.cmpi sle, %sub3A_151, %sub3A_43 : vector<16xi32>
        %all_reduce_population_count3A_153 = tpu.all_reduce %le3A_152 {dim = 0 : i64, kind = #tpu.reduction_kind<sum>} : vector<16xi1> -> vector<16xi32>
        %gt3A_154 = arith.constant 0 : i32
        %gt3A_155 = vector.broadcast %gt3A_154 : i32 to vector<16xi32>
        %gt3A_156 = arith.cmpi sgt, %all_reduce_population_count3A_153, %gt3A_155 : vector<16xi32>
        %sub3A_157 = arith.constant 1 : i32
        %sub3A_158 = vector.broadcast %sub3A_157 : i32 to vector<16xi32>
        %sub3A_159 = arith.subi %all_reduce_population_count3A_153, %sub3A_158 : vector<16xi32>
        %eq3A_160 = arith.cmpi eq, %iota3A_44, %sub3A_159 : vector<16xi32>
        %jit3A_161 = arith.constant 0 : i32
        %broadcast_in_dim3A_162 = vector.broadcast %jit3A_161 : i32 to vector<16xi32>
        %select_n3A_163 = arith.select %eq3A_160, %get3A_146, %broadcast_in_dim3A_162 : vector<16xi1>, vector<16xi32>
        %reduce_sum3A_164 = arith.constant true
        %reduce_sum3A_165 = vector.broadcast %reduce_sum3A_164 : i1 to vector<16xi1>
        %reduce_sum3A_166 = tpu.scan <sum>, %select_n3A_163 masked %reduce_sum3A_165 : vector<16xi32>, vector<16xi1> -> vector<16xi32>
        %reduce_sum3A_167 = vector.extract %reduce_sum3A_166[15] : i32 from vector<16xi32>
        %broadcast_in_dim3A_168 = vector.broadcast %reduce_sum3A_167 : i32 to vector<16xi32>
        %jit3A_169 = arith.constant 0 : i32
        %broadcast_in_dim3A_170 = vector.broadcast %jit3A_169 : i32 to vector<16xi32>
        %select_n3A_171 = arith.select %eq3A_160, %sub3A_151, %broadcast_in_dim3A_170 : vector<16xi1>, vector<16xi32>
        %reduce_sum3A_172 = arith.constant true
        %reduce_sum3A_173 = vector.broadcast %reduce_sum3A_172 : i1 to vector<16xi1>
        %reduce_sum3A_174 = tpu.scan <sum>, %select_n3A_171 masked %reduce_sum3A_173 : vector<16xi32>, vector<16xi1> -> vector<16xi32>
        %reduce_sum3A_175 = vector.extract %reduce_sum3A_174[15] : i32 from vector<16xi32>
        %broadcast_in_dim3A_176 = vector.broadcast %reduce_sum3A_175 : i32 to vector<16xi32>
        %mul3A_177 = arith.constant 16 : i32
        %mul3A_178 = arith.muli %scan3A_142, %mul3A_177 : i32
        %add3A_179 = vector.broadcast %mul3A_178 : i32 to vector<16xi32>
        %add3A_180 = arith.addi %add3A_179, %sub3A_159 : vector<16xi32>
        %select_n3A_181 = arith.select %gt3A_156, %add3A_180, %select_n3A_126 : vector<16xi1>, vector<16xi32>
        %select_n3A_182 = arith.select %gt3A_156, %broadcast_in_dim3A_176, %select_n3A_127 : vector<16xi1>, vector<16xi32>
        %select_n3A_183 = arith.select %gt3A_156, %broadcast_in_dim3A_168, %select_n3A_128 : vector<16xi1>, vector<16xi32>
        %eq3A_184 = arith.constant 15 : i32
        %eq3A_185 = vector.broadcast %eq3A_184 : i32 to vector<16xi32>
        %eq3A_186 = arith.cmpi eq, %iota3A_44, %eq3A_185 : vector<16xi32>
        %jit3A_187 = arith.constant 0 : i32
        %broadcast_in_dim3A_188 = vector.broadcast %jit3A_187 : i32 to vector<16xi32>
        %select_n3A_189 = arith.select %eq3A_186, %masked_cumsum3A_149, %broadcast_in_dim3A_188 : vector<16xi1>, vector<16xi32>
        %reduce_sum3A_190 = arith.constant true
        %reduce_sum3A_191 = vector.broadcast %reduce_sum3A_190 : i1 to vector<16xi1>
        %reduce_sum3A_192 = tpu.scan <sum>, %select_n3A_189 masked %reduce_sum3A_191 : vector<16xi32>, vector<16xi1> -> vector<16xi32>
        %reduce_sum3A_193 = vector.extract %reduce_sum3A_192[15] : i32 from vector<16xi32>
        %broadcast_in_dim3A_194 = vector.broadcast %reduce_sum3A_193 : i32 to vector<16xi32>
        %add3A_195 = arith.addi %add3A_140, %broadcast_in_dim3A_194 : vector<16xi32>
        %scan3A_196 = arith.constant 2 : i32
        %scan3A_197 = arith.addi %scan3A_91, %scan3A_196 : i32
        %mul3A_198 = arith.constant 16 : i32
        %mul3A_199 = arith.muli %scan3A_197, %mul3A_198 : i32
        %get3A_200 = arith.index_cast %mul3A_199 : i32 to index
        %get3A_201 = tpu.vector_load %arg7[%get3A_200] {strides = array<i32>} : memref<2048xi32, #tpu.memory_space<vmem>>, vector<16xi32>,
        %broadcast_in_dim3A_202 = arith.constant true
        %broadcast_in_dim3A_203 = vector.broadcast %broadcast_in_dim3A_202 : i1 to vector<16xi1>
        %masked_cumsum3A_204 = tpu.scan <sum>, %get3A_201 masked %broadcast_in_dim3A_203 : vector<16xi32>, vector<16xi1> -> vector<16xi32>
        %add3A_205 = arith.addi %add3A_195, %masked_cumsum3A_204 : vector<16xi32>
        %sub3A_206 = arith.subi %add3A_205, %get3A_201 : vector<16xi32>
        %le3A_207 = arith.cmpi sle, %sub3A_206, %sub3A_43 : vector<16xi32>
        %all_reduce_population_count3A_208 = tpu.all_reduce %le3A_207 {dim = 0 : i64, kind = #tpu.reduction_kind<sum>} : vector<16xi1> -> vector<16xi32>
        %gt3A_209 = arith.constant 0 : i32
        %gt3A_210 = vector.broadcast %gt3A_209 : i32 to vector<16xi32>
        %gt3A_211 = arith.cmpi sgt, %all_reduce_population_count3A_208, %gt3A_210 : vector<16xi32>
        %sub3A_212 = arith.constant 1 : i32
        %sub3A_213 = vector.broadcast %sub3A_212 : i32 to vector<16xi32>
        %sub3A_214 = arith.subi %all_reduce_population_count3A_208, %sub3A_213 : vector<16xi32>
        %eq3A_215 = arith.cmpi eq, %iota3A_44, %sub3A_214 : vector<16xi32>
        %jit3A_216 = arith.constant 0 : i32
        %broadcast_in_dim3A_217 = vector.broadcast %jit3A_216 : i32 to vector<16xi32>
        %select_n3A_218 = arith.select %eq3A_215, %get3A_201, %broadcast_in_dim3A_217 : vector<16xi1>, vector<16xi32>
        %reduce_sum3A_219 = arith.constant true
        %reduce_sum3A_220 = vector.broadcast %reduce_sum3A_219 : i1 to vector<16xi1>
        %reduce_sum3A_221 = tpu.scan <sum>, %select_n3A_218 masked %reduce_sum3A_220 : vector<16xi32>, vector<16xi1> -> vector<16xi32>
        %reduce_sum3A_222 = vector.extract %reduce_sum3A_221[15] : i32 from vector<16xi32>
        %broadcast_in_dim3A_223 = vector.broadcast %reduce_sum3A_222 : i32 to vector<16xi32>
        %jit3A_224 = arith.constant 0 : i32
        %broadcast_in_dim3A_225 = vector.broadcast %jit3A_224 : i32 to vector<16xi32>
        %select_n3A_226 = arith.select %eq3A_215, %sub3A_206, %broadcast_in_dim3A_225 : vector<16xi1>, vector<16xi32>
        %reduce_sum3A_227 = arith.constant true
        %reduce_sum3A_228 = vector.broadcast %reduce_sum3A_227 : i1 to vector<16xi1>
        %reduce_sum3A_229 = tpu.scan <sum>, %select_n3A_226 masked %reduce_sum3A_228 : vector<16xi32>, vector<16xi1> -> vector<16xi32>
        %reduce_sum3A_230 = vector.extract %reduce_sum3A_229[15] : i32 from vector<16xi32>
        %broadcast_in_dim3A_231 = vector.broadcast %reduce_sum3A_230 : i32 to vector<16xi32>
        %mul3A_232 = arith.constant 16 : i32
        %mul3A_233 = arith.muli %scan3A_197, %mul3A_232 : i32
        %add3A_234 = vector.broadcast %mul3A_233 : i32 to vector<16xi32>
        %add3A_235 = arith.addi %add3A_234, %sub3A_214 : vector<16xi32>
        %select_n3A_236 = arith.select %gt3A_211, %add3A_235, %select_n3A_181 : vector<16xi1>, vector<16xi32>
        %select_n3A_237 = arith.select %gt3A_211, %broadcast_in_dim3A_231, %select_n3A_182 : vector<16xi1>, vector<16xi32>
        %select_n3A_238 = arith.select %gt3A_211, %broadcast_in_dim3A_223, %select_n3A_183 : vector<16xi1>, vector<16xi32>
        %eq3A_239 = arith.constant 15 : i32
        %eq3A_240 = vector.broadcast %eq3A_239 : i32 to vector<16xi32>
        %eq3A_241 = arith.cmpi eq, %iota3A_44, %eq3A_240 : vector<16xi32>
        %jit3A_242 = arith.constant 0 : i32
        %broadcast_in_dim3A_243 = vector.broadcast %jit3A_242 : i32 to vector<16xi32>
        %select_n3A_244 = arith.select %eq3A_241, %masked_cumsum3A_204, %broadcast_in_dim3A_243 : vector<16xi1>, vector<16xi32>
        %reduce_sum3A_245 = arith.constant true
        %reduce_sum3A_246 = vector.broadcast %reduce_sum3A_245 : i1 to vector<16xi1>
        %reduce_sum3A_247 = tpu.scan <sum>, %select_n3A_244 masked %reduce_sum3A_246 : vector<16xi32>, vector<16xi1> -> vector<16xi32>
        %reduce_sum3A_248 = vector.extract %reduce_sum3A_247[15] : i32 from vector<16xi32>
        %broadcast_in_dim3A_249 = vector.broadcast %reduce_sum3A_248 : i32 to vector<16xi32>
        %add3A_250 = arith.addi %add3A_195, %broadcast_in_dim3A_249 : vector<16xi32>
        %scan3A_251 = arith.constant 3 : i32
        %scan3A_252 = arith.addi %scan3A_91, %scan3A_251 : i32
        %mul3A_253 = arith.constant 16 : i32
        %mul3A_254 = arith.muli %scan3A_252, %mul3A_253 : i32
        %get3A_255 = arith.index_cast %mul3A_254 : i32 to index
        %get3A_256 = tpu.vector_load %arg7[%get3A_255] {strides = array<i32>} : memref<2048xi32, #tpu.memory_space<vmem>>, vector<16xi32>,
        %broadcast_in_dim3A_257 = arith.constant true
        %broadcast_in_dim3A_258 = vector.broadcast %broadcast_in_dim3A_257 : i1 to vector<16xi1>
        %masked_cumsum3A_259 = tpu.scan <sum>, %get3A_256 masked %broadcast_in_dim3A_258 : vector<16xi32>, vector<16xi1> -> vector<16xi32>
        %add3A_260 = arith.addi %add3A_250, %masked_cumsum3A_259 : vector<16xi32>
        %sub3A_261 = arith.subi %add3A_260, %get3A_256 : vector<16xi32>
        %le3A_262 = arith.cmpi sle, %sub3A_261, %sub3A_43 : vector<16xi32>
        %all_reduce_population_count3A_263 = tpu.all_reduce %le3A_262 {dim = 0 : i64, kind = #tpu.reduction_kind<sum>} : vector<16xi1> -> vector<16xi32>
        %gt3A_264 = arith.constant 0 : i32
        %gt3A_265 = vector.broadcast %gt3A_264 : i32 to vector<16xi32>
        %gt3A_266 = arith.cmpi sgt, %all_reduce_population_count3A_263, %gt3A_265 : vector<16xi32>
        %sub3A_267 = arith.constant 1 : i32
        %sub3A_268 = vector.broadcast %sub3A_267 : i32 to vector<16xi32>
        %sub3A_269 = arith.subi %all_reduce_population_count3A_263, %sub3A_268 : vector<16xi32>
        %eq3A_270 = arith.cmpi eq, %iota3A_44, %sub3A_269 : vector<16xi32>
        %jit3A_271 = arith.constant 0 : i32
        %broadcast_in_dim3A_272 = vector.broadcast %jit3A_271 : i32 to vector<16xi32>
        %select_n3A_273 = arith.select %eq3A_270, %get3A_256, %broadcast_in_dim3A_272 : vector<16xi1>, vector<16xi32>
        %reduce_sum3A_274 = arith.constant true
        %reduce_sum3A_275 = vector.broadcast %reduce_sum3A_274 : i1 to vector<16xi1>
        %reduce_sum3A_276 = tpu.scan <sum>, %select_n3A_273 masked %reduce_sum3A_275 : vector<16xi32>, vector<16xi1> -> vector<16xi32>
        %reduce_sum3A_277 = vector.extract %reduce_sum3A_276[15] : i32 from vector<16xi32>
        %broadcast_in_dim3A_278 = vector.broadcast %reduce_sum3A_277 : i32 to vector<16xi32>
        %jit3A_279 = arith.constant 0 : i32
        %broadcast_in_dim3A_280 = vector.broadcast %jit3A_279 : i32 to vector<16xi32>
        %select_n3A_281 = arith.select %eq3A_270, %sub3A_261, %broadcast_in_dim3A_280 : vector<16xi1>, vector<16xi32>
        %reduce_sum3A_282 = arith.constant true
        %reduce_sum3A_283 = vector.broadcast %reduce_sum3A_282 : i1 to vector<16xi1>
        %reduce_sum3A_284 = tpu.scan <sum>, %select_n3A_281 masked %reduce_sum3A_283 : vector<16xi32>, vector<16xi1> -> vector<16xi32>
        %reduce_sum3A_285 = vector.extract %reduce_sum3A_284[15] : i32 from vector<16xi32>
        %broadcast_in_dim3A_286 = vector.broadcast %reduce_sum3A_285 : i32 to vector<16xi32>
        %mul3A_287 = arith.constant 16 : i32
        %mul3A_288 = arith.muli %scan3A_252, %mul3A_287 : i32
        %add3A_289 = vector.broadcast %mul3A_288 : i32 to vector<16xi32>
        %add3A_290 = arith.addi %add3A_289, %sub3A_269 : vector<16xi32>
        %select_n3A_291 = arith.select %gt3A_266, %add3A_290, %select_n3A_236 : vector<16xi1>, vector<16xi32>
        %select_n3A_292 = arith.select %gt3A_266, %broadcast_in_dim3A_286, %select_n3A_237 : vector<16xi1>, vector<16xi32>
        %select_n3A_293 = arith.select %gt3A_266, %broadcast_in_dim3A_278, %select_n3A_238 : vector<16xi1>, vector<16xi32>
        %eq3A_294 = arith.constant 15 : i32
        %eq3A_295 = vector.broadcast %eq3A_294 : i32 to vector<16xi32>
        %eq3A_296 = arith.cmpi eq, %iota3A_44, %eq3A_295 : vector<16xi32>
        %jit3A_297 = arith.constant 0 : i32
        %broadcast_in_dim3A_298 = vector.broadcast %jit3A_297 : i32 to vector<16xi32>
        %select_n3A_299 = arith.select %eq3A_296, %masked_cumsum3A_259, %broadcast_in_dim3A_298 : vector<16xi1>, vector<16xi32>
        %reduce_sum3A_300 = arith.constant true
        %reduce_sum3A_301 = vector.broadcast %reduce_sum3A_300 : i1 to vector<16xi1>
        %reduce_sum3A_302 = tpu.scan <sum>, %select_n3A_299 masked %reduce_sum3A_301 : vector<16xi32>, vector<16xi1> -> vector<16xi32>
        %reduce_sum3A_303 = vector.extract %reduce_sum3A_302[15] : i32 from vector<16xi32>
        %broadcast_in_dim3A_304 = vector.broadcast %reduce_sum3A_303 : i32 to vector<16xi32>
        %add3A_305 = arith.addi %add3A_250, %broadcast_in_dim3A_304 : vector<16xi32>
        scf.yield %add3A_305, %select_n3A_291, %select_n3A_292, %select_n3A_293 : vector<16xi32>, vector<16xi32>, vector<16xi32>, vector<16xi32>
      }
      %scan3A_52 = arith.constant 64 : i32
      %add3A_53 = arith.addi %scan3A_51#2, %scan3A_51#3 : vector<16xi32>
      %sub3A_54 = arith.subi %scan3A_23#3, %add3A_53 : vector<16xi32>
      %sub3A_55 = arith.subi %sub3A_28, %sub3A_54 : vector<16xi32>
      %scan3A_56 = arith.constant 0 : i32
      %scan3A_57 = arith.constant 0 : i32
      %scan3A_58 = arith.constant 64 : i32
      %scan3A_59 = arith.addi %scan3A_57, %scan3A_58 : i32
      %scan3A_60 = arith.constant 8 : i32
      scf.for %scan3A_91 = %scan3A_57 to %scan3A_59 step %scan3A_60  : i32 {
        %broadcast_in_dim3A_92 = arith.constant 0 : i32
        %broadcast_in_dim3A_93 = vector.broadcast %broadcast_in_dim3A_92 : i32 to vector<16xi32>
        %mul3A = arith.constant 16 : i32
        %mul3A_94 = arith.muli %scan3A_91, %mul3A : i32
        %swap3A_95 = arith.index_cast %mul3A_94 : i32 to index
        %swap3A_96 = tpu.vector_load %arg7[%swap3A_95] {strides = array<i32>} : memref<2048xi32, #tpu.memory_space<vmem>>, vector<16xi32>,
        tpu.vector_store %arg7[%swap3A_95], %broadcast_in_dim3A_93 {strides = array<i32>} : memref<2048xi32, #tpu.memory_space<vmem>>, vector<16xi32>,
        %scan3A_97 = arith.constant 1 : i32
        %scan3A_98 = arith.addi %scan3A_91, %scan3A_97 : i32
        %broadcast_in_dim3A_99 = arith.constant 0 : i32
        %broadcast_in_dim3A_100 = vector.broadcast %broadcast_in_dim3A_99 : i32 to vector<16xi32>
        %mul3A_101 = arith.constant 16 : i32
        %mul3A_102 = arith.muli %scan3A_98, %mul3A_101 : i32
        %swap3A_103 = arith.index_cast %mul3A_102 : i32 to index
        %swap3A_104 = tpu.vector_load %arg7[%swap3A_103] {strides = array<i32>} : memref<2048xi32, #tpu.memory_space<vmem>>, vector<16xi32>,
        tpu.vector_store %arg7[%swap3A_103], %broadcast_in_dim3A_100 {strides = array<i32>} : memref<2048xi32, #tpu.memory_space<vmem>>, vector<16xi32>,
        %scan3A_105 = arith.constant 2 : i32
        %scan3A_106 = arith.addi %scan3A_91, %scan3A_105 : i32
        %broadcast_in_dim3A_107 = arith.constant 0 : i32
        %broadcast_in_dim3A_108 = vector.broadcast %broadcast_in_dim3A_107 : i32 to vector<16xi32>
        %mul3A_109 = arith.constant 16 : i32
        %mul3A_110 = arith.muli %scan3A_106, %mul3A_109 : i32
        %swap3A_111 = arith.index_cast %mul3A_110 : i32 to index
        %swap3A_112 = tpu.vector_load %arg7[%swap3A_111] {strides = array<i32>} : memref<2048xi32, #tpu.memory_space<vmem>>, vector<16xi32>,
        tpu.vector_store %arg7[%swap3A_111], %broadcast_in_dim3A_108 {strides = array<i32>} : memref<2048xi32, #tpu.memory_space<vmem>>, vector<16xi32>,
        %scan3A_113 = arith.constant 3 : i32
        %scan3A_114 = arith.addi %scan3A_91, %scan3A_113 : i32
        %broadcast_in_dim3A_115 = arith.constant 0 : i32
        %broadcast_in_dim3A_116 = vector.broadcast %broadcast_in_dim3A_115 : i32 to vector<16xi32>
        %mul3A_117 = arith.constant 16 : i32
        %mul3A_118 = arith.muli %scan3A_114, %mul3A_117 : i32
        %swap3A_119 = arith.index_cast %mul3A_118 : i32 to index
        %swap3A_120 = tpu.vector_load %arg7[%swap3A_119] {strides = array<i32>} : memref<2048xi32, #tpu.memory_space<vmem>>, vector<16xi32>,
        tpu.vector_store %arg7[%swap3A_119], %broadcast_in_dim3A_116 {strides = array<i32>} : memref<2048xi32, #tpu.memory_space<vmem>>, vector<16xi32>,
        %scan3A_121 = arith.constant 4 : i32
        %scan3A_122 = arith.addi %scan3A_91, %scan3A_121 : i32
        %broadcast_in_dim3A_123 = arith.constant 0 : i32
        %broadcast_in_dim3A_124 = vector.broadcast %broadcast_in_dim3A_123 : i32 to vector<16xi32>
        %mul3A_125 = arith.constant 16 : i32
        %mul3A_126 = arith.muli %scan3A_122, %mul3A_125 : i32
        %swap3A_127 = arith.index_cast %mul3A_126 : i32 to index
        %swap3A_128 = tpu.vector_load %arg7[%swap3A_127] {strides = array<i32>} : memref<2048xi32, #tpu.memory_space<vmem>>, vector<16xi32>,
        tpu.vector_store %arg7[%swap3A_127], %broadcast_in_dim3A_124 {strides = array<i32>} : memref<2048xi32, #tpu.memory_space<vmem>>, vector<16xi32>,
        %scan3A_129 = arith.constant 5 : i32
        %scan3A_130 = arith.addi %scan3A_91, %scan3A_129 : i32
        %broadcast_in_dim3A_131 = arith.constant 0 : i32
        %broadcast_in_dim3A_132 = vector.broadcast %broadcast_in_dim3A_131 : i32 to vector<16xi32>
        %mul3A_133 = arith.constant 16 : i32
        %mul3A_134 = arith.muli %scan3A_130, %mul3A_133 : i32
        %swap3A_135 = arith.index_cast %mul3A_134 : i32 to index
        %swap3A_136 = tpu.vector_load %arg7[%swap3A_135] {strides = array<i32>} : memref<2048xi32, #tpu.memory_space<vmem>>, vector<16xi32>,
        tpu.vector_store %arg7[%swap3A_135], %broadcast_in_dim3A_132 {strides = array<i32>} : memref<2048xi32, #tpu.memory_space<vmem>>, vector<16xi32>,
        %scan3A_137 = arith.constant 6 : i32
        %scan3A_138 = arith.addi %scan3A_91, %scan3A_137 : i32
        %broadcast_in_dim3A_139 = arith.constant 0 : i32
        %broadcast_in_dim3A_140 = vector.broadcast %broadcast_in_dim3A_139 : i32 to vector<16xi32>
        %mul3A_141 = arith.constant 16 : i32
        %mul3A_142 = arith.muli %scan3A_138, %mul3A_141 : i32
        %swap3A_143 = arith.index_cast %mul3A_142 : i32 to index
        %swap3A_144 = tpu.vector_load %arg7[%swap3A_143] {strides = array<i32>} : memref<2048xi32, #tpu.memory_space<vmem>>, vector<16xi32>,
        tpu.vector_store %arg7[%swap3A_143], %broadcast_in_dim3A_140 {strides = array<i32>} : memref<2048xi32, #tpu.memory_space<vmem>>, vector<16xi32>,
        %scan3A_145 = arith.constant 7 : i32
        %scan3A_146 = arith.addi %scan3A_91, %scan3A_145 : i32
        %broadcast_in_dim3A_147 = arith.constant 0 : i32
        %broadcast_in_dim3A_148 = vector.broadcast %broadcast_in_dim3A_147 : i32 to vector<16xi32>
        %mul3A_149 = arith.constant 16 : i32
        %mul3A_150 = arith.muli %scan3A_146, %mul3A_149 : i32
        %swap3A_151 = arith.index_cast %mul3A_150 : i32 to index
        %swap3A_152 = tpu.vector_load %arg7[%swap3A_151] {strides = array<i32>} : memref<2048xi32, #tpu.memory_space<vmem>>, vector<16xi32>,
        tpu.vector_store %arg7[%swap3A_151], %broadcast_in_dim3A_148 {strides = array<i32>} : memref<2048xi32, #tpu.memory_space<vmem>>, vector<16xi32>,
      }
      %scan3A_61 = arith.constant 64 : i32
      %shift_left3A = arith.constant 10 : i32
      %shift_left3A_62 = vector.broadcast %shift_left3A : i32 to vector<16xi32>
      %shift_left3A_63 = arith.shli %scan3A_23#1, %shift_left3A_62 : vector<16xi32>
      %or3A = arith.ori %shift_left3A_63, %scan3A_51#1 : vector<16xi32>
      %broadcast_in_dim3A_64 = arith.constant 1 : i32
      %broadcast_in_dim3A_65 = vector.broadcast %broadcast_in_dim3A_64 : i32 to vector<16xi32>
      %scan3A_66 = arith.constant 0 : i32
      %scan3A_67 = arith.constant 0 : i32
      %scan3A_68 = arith.constant 2048 : i32
      %scan3A_69 = arith.addi %scan3A_67, %scan3A_68 : i32
      %scan3A_70 = arith.constant 8 : i32
      scf.for %scan3A_91 = %scan3A_67 to %scan3A_69 step %scan3A_70  : i32 {
        %mul3A = arith.constant 16 : i32
        %mul3A_92 = arith.muli %scan3A_91, %mul3A : i32
        %get3A_93 = arith.index_cast %mul3A_92 : i32 to index
        %get3A_94 = tpu.vector_load %arg5[%get3A_93] {strides = array<i32>} : memref<32768xf32, #tpu.memory_space<vmem>>, vector<16xf32>,
        %bitcast3A_95 = vector.bitcast %get3A_94 : vector<16xf32> to vector<16xi32>
        %shift_right_logical3A = arith.constant 10 : i32
        %shift_right_logical3A_96 = vector.broadcast %shift_right_logical3A : i32 to vector<16xi32>
        %shift_right_logical3A_97 = arith.shrui %bitcast3A_95, %shift_right_logical3A_96 : vector<16xi32>
        %eq3A_98 = arith.cmpi eq, %shift_right_logical3A_97, %or3A : vector<16xi32>
        %shift_right_logical3A_99 = arith.constant 0 : i32
        %shift_right_logical3A_100 = vector.broadcast %shift_right_logical3A_99 : i32 to vector<16xi32>
        %shift_right_logical3A_101 = arith.shrui %bitcast3A_95, %shift_right_logical3A_100 : vector<16xi32>
        %and3A = arith.constant 1023 : i32
        %and3A_102 = vector.broadcast %and3A : i32 to vector<16xi32>
        %and3A_103 = arith.andi %shift_right_logical3A_101, %and3A_102 : vector<16xi32>
        tpu.vector_store_idx %arg7[%and3A_103], %broadcast_in_dim3A_65 masked %eq3A_98 {add = true} : memref<2048xi32, #tpu.memory_space<vmem>>[vector<16xi32>], vector<16xi32>, vector<16xi1>
        %scan3A_104 = arith.constant 1 : i32
        %scan3A_105 = arith.addi %scan3A_91, %scan3A_104 : i32
        %mul3A_106 = arith.constant 16 : i32
        %mul3A_107 = arith.muli %scan3A_105, %mul3A_106 : i32
        %get3A_108 = arith.index_cast %mul3A_107 : i32 to index
        %get3A_109 = tpu.vector_load %arg5[%get3A_108] {strides = array<i32>} : memref<32768xf32, #tpu.memory_space<vmem>>, vector<16xf32>,
        %bitcast3A_110 = vector.bitcast %get3A_109 : vector<16xf32> to vector<16xi32>
        %shift_right_logical3A_111 = arith.constant 10 : i32
        %shift_right_logical3A_112 = vector.broadcast %shift_right_logical3A_111 : i32 to vector<16xi32>
        %shift_right_logical3A_113 = arith.shrui %bitcast3A_110, %shift_right_logical3A_112 : vector<16xi32>
        %eq3A_114 = arith.cmpi eq, %shift_right_logical3A_113, %or3A : vector<16xi32>
        %shift_right_logical3A_115 = arith.constant 0 : i32
        %shift_right_logical3A_116 = vector.broadcast %shift_right_logical3A_115 : i32 to vector<16xi32>
        %shift_right_logical3A_117 = arith.shrui %bitcast3A_110, %shift_right_logical3A_116 : vector<16xi32>
        %and3A_118 = arith.constant 1023 : i32
        %and3A_119 = vector.broadcast %and3A_118 : i32 to vector<16xi32>
        %and3A_120 = arith.andi %shift_right_logical3A_117, %and3A_119 : vector<16xi32>
        tpu.vector_store_idx %arg7[%and3A_120], %broadcast_in_dim3A_65 masked %eq3A_114 {add = true} : memref<2048xi32, #tpu.memory_space<vmem>>[vector<16xi32>], vector<16xi32>, vector<16xi1>
        %scan3A_121 = arith.constant 2 : i32
        %scan3A_122 = arith.addi %scan3A_91, %scan3A_121 : i32
        %mul3A_123 = arith.constant 16 : i32
        %mul3A_124 = arith.muli %scan3A_122, %mul3A_123 : i32
        %get3A_125 = arith.index_cast %mul3A_124 : i32 to index
        %get3A_126 = tpu.vector_load %arg5[%get3A_125] {strides = array<i32>} : memref<32768xf32, #tpu.memory_space<vmem>>, vector<16xf32>,
        %bitcast3A_127 = vector.bitcast %get3A_126 : vector<16xf32> to vector<16xi32>
        %shift_right_logical3A_128 = arith.constant 10 : i32
        %shift_right_logical3A_129 = vector.broadcast %shift_right_logical3A_128 : i32 to vector<16xi32>
        %shift_right_logical3A_130 = arith.shrui %bitcast3A_127, %shift_right_logical3A_129 : vector<16xi32>
        %eq3A_131 = arith.cmpi eq, %shift_right_logical3A_130, %or3A : vector<16xi32>
        %shift_right_logical3A_132 = arith.constant 0 : i32
        %shift_right_logical3A_133 = vector.broadcast %shift_right_logical3A_132 : i32 to vector<16xi32>
        %shift_right_logical3A_134 = arith.shrui %bitcast3A_127, %shift_right_logical3A_133 : vector<16xi32>
        %and3A_135 = arith.constant 1023 : i32
        %and3A_136 = vector.broadcast %and3A_135 : i32 to vector<16xi32>
        %and3A_137 = arith.andi %shift_right_logical3A_134, %and3A_136 : vector<16xi32>
        tpu.vector_store_idx %arg7[%and3A_137], %broadcast_in_dim3A_65 masked %eq3A_131 {add = true} : memref<2048xi32, #tpu.memory_space<vmem>>[vector<16xi32>], vector<16xi32>, vector<16xi1>
        %scan3A_138 = arith.constant 3 : i32
        %scan3A_139 = arith.addi %scan3A_91, %scan3A_138 : i32
        %mul3A_140 = arith.constant 16 : i32
        %mul3A_141 = arith.muli %scan3A_139, %mul3A_140 : i32
        %get3A_142 = arith.index_cast %mul3A_141 : i32 to index
        %get3A_143 = tpu.vector_load %arg5[%get3A_142] {strides = array<i32>} : memref<32768xf32, #tpu.memory_space<vmem>>, vector<16xf32>,
        %bitcast3A_144 = vector.bitcast %get3A_143 : vector<16xf32> to vector<16xi32>
        %shift_right_logical3A_145 = arith.constant 10 : i32
        %shift_right_logical3A_146 = vector.broadcast %shift_right_logical3A_145 : i32 to vector<16xi32>
        %shift_right_logical3A_147 = arith.shrui %bitcast3A_144, %shift_right_logical3A_146 : vector<16xi32>
        %eq3A_148 = arith.cmpi eq, %shift_right_logical3A_147, %or3A : vector<16xi32>
        %shift_right_logical3A_149 = arith.constant 0 : i32
        %shift_right_logical3A_150 = vector.broadcast %shift_right_logical3A_149 : i32 to vector<16xi32>
        %shift_right_logical3A_151 = arith.shrui %bitcast3A_144, %shift_right_logical3A_150 : vector<16xi32>
        %and3A_152 = arith.constant 1023 : i32
        %and3A_153 = vector.broadcast %and3A_152 : i32 to vector<16xi32>
        %and3A_154 = arith.andi %shift_right_logical3A_151, %and3A_153 : vector<16xi32>
        tpu.vector_store_idx %arg7[%and3A_154], %broadcast_in_dim3A_65 masked %eq3A_148 {add = true} : memref<2048xi32, #tpu.memory_space<vmem>>[vector<16xi32>], vector<16xi32>, vector<16xi1>
        %scan3A_155 = arith.constant 4 : i32
        %scan3A_156 = arith.addi %scan3A_91, %scan3A_155 : i32
        %mul3A_157 = arith.constant 16 : i32
        %mul3A_158 = arith.muli %scan3A_156, %mul3A_157 : i32
        %get3A_159 = arith.index_cast %mul3A_158 : i32 to index
        %get3A_160 = tpu.vector_load %arg5[%get3A_159] {strides = array<i32>} : memref<32768xf32, #tpu.memory_space<vmem>>, vector<16xf32>,
        %bitcast3A_161 = vector.bitcast %get3A_160 : vector<16xf32> to vector<16xi32>
        %shift_right_logical3A_162 = arith.constant 10 : i32
        %shift_right_logical3A_163 = vector.broadcast %shift_right_logical3A_162 : i32 to vector<16xi32>
        %shift_right_logical3A_164 = arith.shrui %bitcast3A_161, %shift_right_logical3A_163 : vector<16xi32>
        %eq3A_165 = arith.cmpi eq, %shift_right_logical3A_164, %or3A : vector<16xi32>
        %shift_right_logical3A_166 = arith.constant 0 : i32
        %shift_right_logical3A_167 = vector.broadcast %shift_right_logical3A_166 : i32 to vector<16xi32>
        %shift_right_logical3A_168 = arith.shrui %bitcast3A_161, %shift_right_logical3A_167 : vector<16xi32>
        %and3A_169 = arith.constant 1023 : i32
        %and3A_170 = vector.broadcast %and3A_169 : i32 to vector<16xi32>
        %and3A_171 = arith.andi %shift_right_logical3A_168, %and3A_170 : vector<16xi32>
        tpu.vector_store_idx %arg7[%and3A_171], %broadcast_in_dim3A_65 masked %eq3A_165 {add = true} : memref<2048xi32, #tpu.memory_space<vmem>>[vector<16xi32>], vector<16xi32>, vector<16xi1>
        %scan3A_172 = arith.constant 5 : i32
        %scan3A_173 = arith.addi %scan3A_91, %scan3A_172 : i32
        %mul3A_174 = arith.constant 16 : i32
        %mul3A_175 = arith.muli %scan3A_173, %mul3A_174 : i32
        %get3A_176 = arith.index_cast %mul3A_175 : i32 to index
        %get3A_177 = tpu.vector_load %arg5[%get3A_176] {strides = array<i32>} : memref<32768xf32, #tpu.memory_space<vmem>>, vector<16xf32>,
        %bitcast3A_178 = vector.bitcast %get3A_177 : vector<16xf32> to vector<16xi32>
        %shift_right_logical3A_179 = arith.constant 10 : i32
        %shift_right_logical3A_180 = vector.broadcast %shift_right_logical3A_179 : i32 to vector<16xi32>
        %shift_right_logical3A_181 = arith.shrui %bitcast3A_178, %shift_right_logical3A_180 : vector<16xi32>
        %eq3A_182 = arith.cmpi eq, %shift_right_logical3A_181, %or3A : vector<16xi32>
        %shift_right_logical3A_183 = arith.constant 0 : i32
        %shift_right_logical3A_184 = vector.broadcast %shift_right_logical3A_183 : i32 to vector<16xi32>
        %shift_right_logical3A_185 = arith.shrui %bitcast3A_178, %shift_right_logical3A_184 : vector<16xi32>
        %and3A_186 = arith.constant 1023 : i32
        %and3A_187 = vector.broadcast %and3A_186 : i32 to vector<16xi32>
        %and3A_188 = arith.andi %shift_right_logical3A_185, %and3A_187 : vector<16xi32>
        tpu.vector_store_idx %arg7[%and3A_188], %broadcast_in_dim3A_65 masked %eq3A_182 {add = true} : memref<2048xi32, #tpu.memory_space<vmem>>[vector<16xi32>], vector<16xi32>, vector<16xi1>
        %scan3A_189 = arith.constant 6 : i32
        %scan3A_190 = arith.addi %scan3A_91, %scan3A_189 : i32
        %mul3A_191 = arith.constant 16 : i32
        %mul3A_192 = arith.muli %scan3A_190, %mul3A_191 : i32
        %get3A_193 = arith.index_cast %mul3A_192 : i32 to index
        %get3A_194 = tpu.vector_load %arg5[%get3A_193] {strides = array<i32>} : memref<32768xf32, #tpu.memory_space<vmem>>, vector<16xf32>,
        %bitcast3A_195 = vector.bitcast %get3A_194 : vector<16xf32> to vector<16xi32>
        %shift_right_logical3A_196 = arith.constant 10 : i32
        %shift_right_logical3A_197 = vector.broadcast %shift_right_logical3A_196 : i32 to vector<16xi32>
        %shift_right_logical3A_198 = arith.shrui %bitcast3A_195, %shift_right_logical3A_197 : vector<16xi32>
        %eq3A_199 = arith.cmpi eq, %shift_right_logical3A_198, %or3A : vector<16xi32>
        %shift_right_logical3A_200 = arith.constant 0 : i32
        %shift_right_logical3A_201 = vector.broadcast %shift_right_logical3A_200 : i32 to vector<16xi32>
        %shift_right_logical3A_202 = arith.shrui %bitcast3A_195, %shift_right_logical3A_201 : vector<16xi32>
        %and3A_203 = arith.constant 1023 : i32
        %and3A_204 = vector.broadcast %and3A_203 : i32 to vector<16xi32>
        %and3A_205 = arith.andi %shift_right_logical3A_202, %and3A_204 : vector<16xi32>
        tpu.vector_store_idx %arg7[%and3A_205], %broadcast_in_dim3A_65 masked %eq3A_199 {add = true} : memref<2048xi32, #tpu.memory_space<vmem>>[vector<16xi32>], vector<16xi32>, vector<16xi1>
        %scan3A_206 = arith.constant 7 : i32
        %scan3A_207 = arith.addi %scan3A_91, %scan3A_206 : i32
        %mul3A_208 = arith.constant 16 : i32
        %mul3A_209 = arith.muli %scan3A_207, %mul3A_208 : i32
        %get3A_210 = arith.index_cast %mul3A_209 : i32 to index
        %get3A_211 = tpu.vector_load %arg5[%get3A_210] {strides = array<i32>} : memref<32768xf32, #tpu.memory_space<vmem>>, vector<16xf32>,
        %bitcast3A_212 = vector.bitcast %get3A_211 : vector<16xf32> to vector<16xi32>
        %shift_right_logical3A_213 = arith.constant 10 : i32
        %shift_right_logical3A_214 = vector.broadcast %shift_right_logical3A_213 : i32 to vector<16xi32>
        %shift_right_logical3A_215 = arith.shrui %bitcast3A_212, %shift_right_logical3A_214 : vector<16xi32>
        %eq3A_216 = arith.cmpi eq, %shift_right_logical3A_215, %or3A : vector<16xi32>
        %shift_right_logical3A_217 = arith.constant 0 : i32
        %shift_right_logical3A_218 = vector.broadcast %shift_right_logical3A_217 : i32 to vector<16xi32>
        %shift_right_logical3A_219 = arith.shrui %bitcast3A_212, %shift_right_logical3A_218 : vector<16xi32>
        %and3A_220 = arith.constant 1023 : i32
        %and3A_221 = vector.broadcast %and3A_220 : i32 to vector<16xi32>
        %and3A_222 = arith.andi %shift_right_logical3A_219, %and3A_221 : vector<16xi32>
        tpu.vector_store_idx %arg7[%and3A_222], %broadcast_in_dim3A_65 masked %eq3A_216 {add = true} : memref<2048xi32, #tpu.memory_space<vmem>>[vector<16xi32>], vector<16xi32>, vector<16xi1>
      }
      %scan3A_71 = arith.constant 2048 : i32
      %sub3A_72 = arith.subi %scan3A_51#3, %sub3A_55 : vector<16xi32>
      %iota3A_73 = tpu.iota {dimensions = array<i32: 0>} : vector<16xi32>
      %broadcast_in_dim3A_74 = arith.constant 0 : i32
      %broadcast_in_dim3A_75 = vector.broadcast %broadcast_in_dim3A_74 : i32 to vector<16xi32>
      %scan3A_76 = arith.constant 0 : i32
      %scan3A_77 = arith.constant 64 : i32
      %scan3A_78 = arith.addi %scan3A_76, %scan3A_77 : i32
      %scan3A_79 = arith.constant 4 : i32
      %scan3A_80:4 = scf.for %scan3A_91 = %scan3A_76 to %scan3A_78 step %scan3A_79 iter_args(%scan3A_92 = %broadcast_in_dim3A_75, %scan3A_93 = %broadcast_in_dim3A_75, %scan3A_94 = %broadcast_in_dim3A_75, %scan3A_95 = %broadcast_in_dim3A_75) -> (vector<16xi32>, vector<16xi32>, vector<16xi32>, vector<16xi32>)  : i32 {
        %mul3A = arith.constant 16 : i32
        %mul3A_96 = arith.muli %scan3A_91, %mul3A : i32
        %get3A_97 = arith.index_cast %mul3A_96 : i32 to index
        %get3A_98 = tpu.vector_load %arg7[%get3A_97] {strides = array<i32>} : memref<2048xi32, #tpu.memory_space<vmem>>, vector<16xi32>,
        %broadcast_in_dim3A_99 = arith.constant true
        %broadcast_in_dim3A_100 = vector.broadcast %broadcast_in_dim3A_99 : i1 to vector<16xi1>
        %masked_cumsum3A = tpu.scan <sum>, %get3A_98 masked %broadcast_in_dim3A_100 : vector<16xi32>, vector<16xi1> -> vector<16xi32>
        %add3A_101 = arith.addi %scan3A_92, %masked_cumsum3A : vector<16xi32>
        %sub3A_102 = arith.subi %add3A_101, %get3A_98 : vector<16xi32>
        %le3A = arith.cmpi sle, %sub3A_102, %sub3A_72 : vector<16xi32>
        %all_reduce_population_count3A = tpu.all_reduce %le3A {dim = 0 : i64, kind = #tpu.reduction_kind<sum>} : vector<16xi1> -> vector<16xi32>
        %gt3A = arith.constant 0 : i32
        %gt3A_103 = vector.broadcast %gt3A : i32 to vector<16xi32>
        %gt3A_104 = arith.cmpi sgt, %all_reduce_population_count3A, %gt3A_103 : vector<16xi32>
        %sub3A_105 = arith.constant 1 : i32
        %sub3A_106 = vector.broadcast %sub3A_105 : i32 to vector<16xi32>
        %sub3A_107 = arith.subi %all_reduce_population_count3A, %sub3A_106 : vector<16xi32>
        %eq3A_108 = arith.cmpi eq, %iota3A_73, %sub3A_107 : vector<16xi32>
        %jit3A = arith.constant 0 : i32
        %broadcast_in_dim3A_109 = vector.broadcast %jit3A : i32 to vector<16xi32>
        %select_n3A = arith.select %eq3A_108, %get3A_98, %broadcast_in_dim3A_109 : vector<16xi1>, vector<16xi32>
        %reduce_sum3A = arith.constant true
        %reduce_sum3A_110 = vector.broadcast %reduce_sum3A : i1 to vector<16xi1>
        %reduce_sum3A_111 = tpu.scan <sum>, %select_n3A masked %reduce_sum3A_110 : vector<16xi32>, vector<16xi1> -> vector<16xi32>
        %reduce_sum3A_112 = vector.extract %reduce_sum3A_111[15] : i32 from vector<16xi32>
        %broadcast_in_dim3A_113 = vector.broadcast %reduce_sum3A_112 : i32 to vector<16xi32>
        %jit3A_114 = arith.constant 0 : i32
        %broadcast_in_dim3A_115 = vector.broadcast %jit3A_114 : i32 to vector<16xi32>
        %select_n3A_116 = arith.select %eq3A_108, %sub3A_102, %broadcast_in_dim3A_115 : vector<16xi1>, vector<16xi32>
        %reduce_sum3A_117 = arith.constant true
        %reduce_sum3A_118 = vector.broadcast %reduce_sum3A_117 : i1 to vector<16xi1>
        %reduce_sum3A_119 = tpu.scan <sum>, %select_n3A_116 masked %reduce_sum3A_118 : vector<16xi32>, vector<16xi1> -> vector<16xi32>
        %reduce_sum3A_120 = vector.extract %reduce_sum3A_119[15] : i32 from vector<16xi32>
        %broadcast_in_dim3A_121 = vector.broadcast %reduce_sum3A_120 : i32 to vector<16xi32>
        %mul3A_122 = arith.constant 16 : i32
        %mul3A_123 = arith.muli %scan3A_91, %mul3A_122 : i32
        %add3A_124 = vector.broadcast %mul3A_123 : i32 to vector<16xi32>
        %add3A_125 = arith.addi %add3A_124, %sub3A_107 : vector<16xi32>
        %select_n3A_126 = arith.select %gt3A_104, %add3A_125, %scan3A_93 : vector<16xi1>, vector<16xi32>
        %select_n3A_127 = arith.select %gt3A_104, %broadcast_in_dim3A_121, %scan3A_94 : vector<16xi1>, vector<16xi32>
        %select_n3A_128 = arith.select %gt3A_104, %broadcast_in_dim3A_113, %scan3A_95 : vector<16xi1>, vector<16xi32>
        %eq3A_129 = arith.constant 15 : i32
        %eq3A_130 = vector.broadcast %eq3A_129 : i32 to vector<16xi32>
        %eq3A_131 = arith.cmpi eq, %iota3A_73, %eq3A_130 : vector<16xi32>
        %jit3A_132 = arith.constant 0 : i32
        %broadcast_in_dim3A_133 = vector.broadcast %jit3A_132 : i32 to vector<16xi32>
        %select_n3A_134 = arith.select %eq3A_131, %masked_cumsum3A, %broadcast_in_dim3A_133 : vector<16xi1>, vector<16xi32>
        %reduce_sum3A_135 = arith.constant true
        %reduce_sum3A_136 = vector.broadcast %reduce_sum3A_135 : i1 to vector<16xi1>
        %reduce_sum3A_137 = tpu.scan <sum>, %select_n3A_134 masked %reduce_sum3A_136 : vector<16xi32>, vector<16xi1> -> vector<16xi32>
        %reduce_sum3A_138 = vector.extract %reduce_sum3A_137[15] : i32 from vector<16xi32>
        %broadcast_in_dim3A_139 = vector.broadcast %reduce_sum3A_138 : i32 to vector<16xi32>
        %add3A_140 = arith.addi %scan3A_92, %broadcast_in_dim3A_139 : vector<16xi32>
        %scan3A_141 = arith.constant 1 : i32
        %scan3A_142 = arith.addi %scan3A_91, %scan3A_141 : i32
        %mul3A_143 = arith.constant 16 : i32
        %mul3A_144 = arith.muli %scan3A_142, %mul3A_143 : i32
        %get3A_145 = arith.index_cast %mul3A_144 : i32 to index
        %get3A_146 = tpu.vector_load %arg7[%get3A_145] {strides = array<i32>} : memref<2048xi32, #tpu.memory_space<vmem>>, vector<16xi32>,
        %broadcast_in_dim3A_147 = arith.constant true
        %broadcast_in_dim3A_148 = vector.broadcast %broadcast_in_dim3A_147 : i1 to vector<16xi1>
        %masked_cumsum3A_149 = tpu.scan <sum>, %get3A_146 masked %broadcast_in_dim3A_148 : vector<16xi32>, vector<16xi1> -> vector<16xi32>
        %add3A_150 = arith.addi %add3A_140, %masked_cumsum3A_149 : vector<16xi32>
        %sub3A_151 = arith.subi %add3A_150, %get3A_146 : vector<16xi32>
        %le3A_152 = arith.cmpi sle, %sub3A_151, %sub3A_72 : vector<16xi32>
        %all_reduce_population_count3A_153 = tpu.all_reduce %le3A_152 {dim = 0 : i64, kind = #tpu.reduction_kind<sum>} : vector<16xi1> -> vector<16xi32>
        %gt3A_154 = arith.constant 0 : i32
        %gt3A_155 = vector.broadcast %gt3A_154 : i32 to vector<16xi32>
        %gt3A_156 = arith.cmpi sgt, %all_reduce_population_count3A_153, %gt3A_155 : vector<16xi32>
        %sub3A_157 = arith.constant 1 : i32
        %sub3A_158 = vector.broadcast %sub3A_157 : i32 to vector<16xi32>
        %sub3A_159 = arith.subi %all_reduce_population_count3A_153, %sub3A_158 : vector<16xi32>
        %eq3A_160 = arith.cmpi eq, %iota3A_73, %sub3A_159 : vector<16xi32>
        %jit3A_161 = arith.constant 0 : i32
        %broadcast_in_dim3A_162 = vector.broadcast %jit3A_161 : i32 to vector<16xi32>
        %select_n3A_163 = arith.select %eq3A_160, %get3A_146, %broadcast_in_dim3A_162 : vector<16xi1>, vector<16xi32>
        %reduce_sum3A_164 = arith.constant true
        %reduce_sum3A_165 = vector.broadcast %reduce_sum3A_164 : i1 to vector<16xi1>
        %reduce_sum3A_166 = tpu.scan <sum>, %select_n3A_163 masked %reduce_sum3A_165 : vector<16xi32>, vector<16xi1> -> vector<16xi32>
        %reduce_sum3A_167 = vector.extract %reduce_sum3A_166[15] : i32 from vector<16xi32>
        %broadcast_in_dim3A_168 = vector.broadcast %reduce_sum3A_167 : i32 to vector<16xi32>
        %jit3A_169 = arith.constant 0 : i32
        %broadcast_in_dim3A_170 = vector.broadcast %jit3A_169 : i32 to vector<16xi32>
        %select_n3A_171 = arith.select %eq3A_160, %sub3A_151, %broadcast_in_dim3A_170 : vector<16xi1>, vector<16xi32>
        %reduce_sum3A_172 = arith.constant true
        %reduce_sum3A_173 = vector.broadcast %reduce_sum3A_172 : i1 to vector<16xi1>
        %reduce_sum3A_174 = tpu.scan <sum>, %select_n3A_171 masked %reduce_sum3A_173 : vector<16xi32>, vector<16xi1> -> vector<16xi32>
        %reduce_sum3A_175 = vector.extract %reduce_sum3A_174[15] : i32 from vector<16xi32>
        %broadcast_in_dim3A_176 = vector.broadcast %reduce_sum3A_175 : i32 to vector<16xi32>
        %mul3A_177 = arith.constant 16 : i32
        %mul3A_178 = arith.muli %scan3A_142, %mul3A_177 : i32
        %add3A_179 = vector.broadcast %mul3A_178 : i32 to vector<16xi32>
        %add3A_180 = arith.addi %add3A_179, %sub3A_159 : vector<16xi32>
        %select_n3A_181 = arith.select %gt3A_156, %add3A_180, %select_n3A_126 : vector<16xi1>, vector<16xi32>
        %select_n3A_182 = arith.select %gt3A_156, %broadcast_in_dim3A_176, %select_n3A_127 : vector<16xi1>, vector<16xi32>
        %select_n3A_183 = arith.select %gt3A_156, %broadcast_in_dim3A_168, %select_n3A_128 : vector<16xi1>, vector<16xi32>
        %eq3A_184 = arith.constant 15 : i32
        %eq3A_185 = vector.broadcast %eq3A_184 : i32 to vector<16xi32>
        %eq3A_186 = arith.cmpi eq, %iota3A_73, %eq3A_185 : vector<16xi32>
        %jit3A_187 = arith.constant 0 : i32
        %broadcast_in_dim3A_188 = vector.broadcast %jit3A_187 : i32 to vector<16xi32>
        %select_n3A_189 = arith.select %eq3A_186, %masked_cumsum3A_149, %broadcast_in_dim3A_188 : vector<16xi1>, vector<16xi32>
        %reduce_sum3A_190 = arith.constant true
        %reduce_sum3A_191 = vector.broadcast %reduce_sum3A_190 : i1 to vector<16xi1>
        %reduce_sum3A_192 = tpu.scan <sum>, %select_n3A_189 masked %reduce_sum3A_191 : vector<16xi32>, vector<16xi1> -> vector<16xi32>
        %reduce_sum3A_193 = vector.extract %reduce_sum3A_192[15] : i32 from vector<16xi32>
        %broadcast_in_dim3A_194 = vector.broadcast %reduce_sum3A_193 : i32 to vector<16xi32>
        %add3A_195 = arith.addi %add3A_140, %broadcast_in_dim3A_194 : vector<16xi32>
        %scan3A_196 = arith.constant 2 : i32
        %scan3A_197 = arith.addi %scan3A_91, %scan3A_196 : i32
        %mul3A_198 = arith.constant 16 : i32
        %mul3A_199 = arith.muli %scan3A_197, %mul3A_198 : i32
        %get3A_200 = arith.index_cast %mul3A_199 : i32 to index
        %get3A_201 = tpu.vector_load %arg7[%get3A_200] {strides = array<i32>} : memref<2048xi32, #tpu.memory_space<vmem>>, vector<16xi32>,
        %broadcast_in_dim3A_202 = arith.constant true
        %broadcast_in_dim3A_203 = vector.broadcast %broadcast_in_dim3A_202 : i1 to vector<16xi1>
        %masked_cumsum3A_204 = tpu.scan <sum>, %get3A_201 masked %broadcast_in_dim3A_203 : vector<16xi32>, vector<16xi1> -> vector<16xi32>
        %add3A_205 = arith.addi %add3A_195, %masked_cumsum3A_204 : vector<16xi32>
        %sub3A_206 = arith.subi %add3A_205, %get3A_201 : vector<16xi32>
        %le3A_207 = arith.cmpi sle, %sub3A_206, %sub3A_72 : vector<16xi32>
        %all_reduce_population_count3A_208 = tpu.all_reduce %le3A_207 {dim = 0 : i64, kind = #tpu.reduction_kind<sum>} : vector<16xi1> -> vector<16xi32>
        %gt3A_209 = arith.constant 0 : i32
        %gt3A_210 = vector.broadcast %gt3A_209 : i32 to vector<16xi32>
        %gt3A_211 = arith.cmpi sgt, %all_reduce_population_count3A_208, %gt3A_210 : vector<16xi32>
        %sub3A_212 = arith.constant 1 : i32
        %sub3A_213 = vector.broadcast %sub3A_212 : i32 to vector<16xi32>
        %sub3A_214 = arith.subi %all_reduce_population_count3A_208, %sub3A_213 : vector<16xi32>
        %eq3A_215 = arith.cmpi eq, %iota3A_73, %sub3A_214 : vector<16xi32>
        %jit3A_216 = arith.constant 0 : i32
        %broadcast_in_dim3A_217 = vector.broadcast %jit3A_216 : i32 to vector<16xi32>
        %select_n3A_218 = arith.select %eq3A_215, %get3A_201, %broadcast_in_dim3A_217 : vector<16xi1>, vector<16xi32>
        %reduce_sum3A_219 = arith.constant true
        %reduce_sum3A_220 = vector.broadcast %reduce_sum3A_219 : i1 to vector<16xi1>
        %reduce_sum3A_221 = tpu.scan <sum>, %select_n3A_218 masked %reduce_sum3A_220 : vector<16xi32>, vector<16xi1> -> vector<16xi32>
        %reduce_sum3A_222 = vector.extract %reduce_sum3A_221[15] : i32 from vector<16xi32>
        %broadcast_in_dim3A_223 = vector.broadcast %reduce_sum3A_222 : i32 to vector<16xi32>
        %jit3A_224 = arith.constant 0 : i32
        %broadcast_in_dim3A_225 = vector.broadcast %jit3A_224 : i32 to vector<16xi32>
        %select_n3A_226 = arith.select %eq3A_215, %sub3A_206, %broadcast_in_dim3A_225 : vector<16xi1>, vector<16xi32>
        %reduce_sum3A_227 = arith.constant true
        %reduce_sum3A_228 = vector.broadcast %reduce_sum3A_227 : i1 to vector<16xi1>
        %reduce_sum3A_229 = tpu.scan <sum>, %select_n3A_226 masked %reduce_sum3A_228 : vector<16xi32>, vector<16xi1> -> vector<16xi32>
        %reduce_sum3A_230 = vector.extract %reduce_sum3A_229[15] : i32 from vector<16xi32>
        %broadcast_in_dim3A_231 = vector.broadcast %reduce_sum3A_230 : i32 to vector<16xi32>
        %mul3A_232 = arith.constant 16 : i32
        %mul3A_233 = arith.muli %scan3A_197, %mul3A_232 : i32
        %add3A_234 = vector.broadcast %mul3A_233 : i32 to vector<16xi32>
        %add3A_235 = arith.addi %add3A_234, %sub3A_214 : vector<16xi32>
        %select_n3A_236 = arith.select %gt3A_211, %add3A_235, %select_n3A_181 : vector<16xi1>, vector<16xi32>
        %select_n3A_237 = arith.select %gt3A_211, %broadcast_in_dim3A_231, %select_n3A_182 : vector<16xi1>, vector<16xi32>
        %select_n3A_238 = arith.select %gt3A_211, %broadcast_in_dim3A_223, %select_n3A_183 : vector<16xi1>, vector<16xi32>
        %eq3A_239 = arith.constant 15 : i32
        %eq3A_240 = vector.broadcast %eq3A_239 : i32 to vector<16xi32>
        %eq3A_241 = arith.cmpi eq, %iota3A_73, %eq3A_240 : vector<16xi32>
        %jit3A_242 = arith.constant 0 : i32
        %broadcast_in_dim3A_243 = vector.broadcast %jit3A_242 : i32 to vector<16xi32>
        %select_n3A_244 = arith.select %eq3A_241, %masked_cumsum3A_204, %broadcast_in_dim3A_243 : vector<16xi1>, vector<16xi32>
        %reduce_sum3A_245 = arith.constant true
        %reduce_sum3A_246 = vector.broadcast %reduce_sum3A_245 : i1 to vector<16xi1>
        %reduce_sum3A_247 = tpu.scan <sum>, %select_n3A_244 masked %reduce_sum3A_246 : vector<16xi32>, vector<16xi1> -> vector<16xi32>
        %reduce_sum3A_248 = vector.extract %reduce_sum3A_247[15] : i32 from vector<16xi32>
        %broadcast_in_dim3A_249 = vector.broadcast %reduce_sum3A_248 : i32 to vector<16xi32>
        %add3A_250 = arith.addi %add3A_195, %broadcast_in_dim3A_249 : vector<16xi32>
        %scan3A_251 = arith.constant 3 : i32
        %scan3A_252 = arith.addi %scan3A_91, %scan3A_251 : i32
        %mul3A_253 = arith.constant 16 : i32
        %mul3A_254 = arith.muli %scan3A_252, %mul3A_253 : i32
        %get3A_255 = arith.index_cast %mul3A_254 : i32 to index
        %get3A_256 = tpu.vector_load %arg7[%get3A_255] {strides = array<i32>} : memref<2048xi32, #tpu.memory_space<vmem>>, vector<16xi32>,
        %broadcast_in_dim3A_257 = arith.constant true
        %broadcast_in_dim3A_258 = vector.broadcast %broadcast_in_dim3A_257 : i1 to vector<16xi1>
        %masked_cumsum3A_259 = tpu.scan <sum>, %get3A_256 masked %broadcast_in_dim3A_258 : vector<16xi32>, vector<16xi1> -> vector<16xi32>
        %add3A_260 = arith.addi %add3A_250, %masked_cumsum3A_259 : vector<16xi32>
        %sub3A_261 = arith.subi %add3A_260, %get3A_256 : vector<16xi32>
        %le3A_262 = arith.cmpi sle, %sub3A_261, %sub3A_72 : vector<16xi32>
        %all_reduce_population_count3A_263 = tpu.all_reduce %le3A_262 {dim = 0 : i64, kind = #tpu.reduction_kind<sum>} : vector<16xi1> -> vector<16xi32>
        %gt3A_264 = arith.constant 0 : i32
        %gt3A_265 = vector.broadcast %gt3A_264 : i32 to vector<16xi32>
        %gt3A_266 = arith.cmpi sgt, %all_reduce_population_count3A_263, %gt3A_265 : vector<16xi32>
        %sub3A_267 = arith.constant 1 : i32
        %sub3A_268 = vector.broadcast %sub3A_267 : i32 to vector<16xi32>
        %sub3A_269 = arith.subi %all_reduce_population_count3A_263, %sub3A_268 : vector<16xi32>
        %eq3A_270 = arith.cmpi eq, %iota3A_73, %sub3A_269 : vector<16xi32>
        %jit3A_271 = arith.constant 0 : i32
        %broadcast_in_dim3A_272 = vector.broadcast %jit3A_271 : i32 to vector<16xi32>
        %select_n3A_273 = arith.select %eq3A_270, %get3A_256, %broadcast_in_dim3A_272 : vector<16xi1>, vector<16xi32>
        %reduce_sum3A_274 = arith.constant true
        %reduce_sum3A_275 = vector.broadcast %reduce_sum3A_274 : i1 to vector<16xi1>
        %reduce_sum3A_276 = tpu.scan <sum>, %select_n3A_273 masked %reduce_sum3A_275 : vector<16xi32>, vector<16xi1> -> vector<16xi32>
        %reduce_sum3A_277 = vector.extract %reduce_sum3A_276[15] : i32 from vector<16xi32>
        %broadcast_in_dim3A_278 = vector.broadcast %reduce_sum3A_277 : i32 to vector<16xi32>
        %jit3A_279 = arith.constant 0 : i32
        %broadcast_in_dim3A_280 = vector.broadcast %jit3A_279 : i32 to vector<16xi32>
        %select_n3A_281 = arith.select %eq3A_270, %sub3A_261, %broadcast_in_dim3A_280 : vector<16xi1>, vector<16xi32>
        %reduce_sum3A_282 = arith.constant true
        %reduce_sum3A_283 = vector.broadcast %reduce_sum3A_282 : i1 to vector<16xi1>
        %reduce_sum3A_284 = tpu.scan <sum>, %select_n3A_281 masked %reduce_sum3A_283 : vector<16xi32>, vector<16xi1> -> vector<16xi32>
        %reduce_sum3A_285 = vector.extract %reduce_sum3A_284[15] : i32 from vector<16xi32>
        %broadcast_in_dim3A_286 = vector.broadcast %reduce_sum3A_285 : i32 to vector<16xi32>
        %mul3A_287 = arith.constant 16 : i32
        %mul3A_288 = arith.muli %scan3A_252, %mul3A_287 : i32
        %add3A_289 = vector.broadcast %mul3A_288 : i32 to vector<16xi32>
        %add3A_290 = arith.addi %add3A_289, %sub3A_269 : vector<16xi32>
        %select_n3A_291 = arith.select %gt3A_266, %add3A_290, %select_n3A_236 : vector<16xi1>, vector<16xi32>
        %select_n3A_292 = arith.select %gt3A_266, %broadcast_in_dim3A_286, %select_n3A_237 : vector<16xi1>, vector<16xi32>
        %select_n3A_293 = arith.select %gt3A_266, %broadcast_in_dim3A_278, %select_n3A_238 : vector<16xi1>, vector<16xi32>
        %eq3A_294 = arith.constant 15 : i32
        %eq3A_295 = vector.broadcast %eq3A_294 : i32 to vector<16xi32>
        %eq3A_296 = arith.cmpi eq, %iota3A_73, %eq3A_295 : vector<16xi32>
        %jit3A_297 = arith.constant 0 : i32
        %broadcast_in_dim3A_298 = vector.broadcast %jit3A_297 : i32 to vector<16xi32>
        %select_n3A_299 = arith.select %eq3A_296, %masked_cumsum3A_259, %broadcast_in_dim3A_298 : vector<16xi1>, vector<16xi32>
        %reduce_sum3A_300 = arith.constant true
        %reduce_sum3A_301 = vector.broadcast %reduce_sum3A_300 : i1 to vector<16xi1>
        %reduce_sum3A_302 = tpu.scan <sum>, %select_n3A_299 masked %reduce_sum3A_301 : vector<16xi32>, vector<16xi1> -> vector<16xi32>
        %reduce_sum3A_303 = vector.extract %reduce_sum3A_302[15] : i32 from vector<16xi32>
        %broadcast_in_dim3A_304 = vector.broadcast %reduce_sum3A_303 : i32 to vector<16xi32>
        %add3A_305 = arith.addi %add3A_250, %broadcast_in_dim3A_304 : vector<16xi32>
        scf.yield %add3A_305, %select_n3A_291, %select_n3A_292, %select_n3A_293 : vector<16xi32>, vector<16xi32>, vector<16xi32>, vector<16xi32>
      }
      %scan3A_81 = arith.constant 64 : i32
      %shift_left3A_82 = arith.constant 20 : i32
      %shift_left3A_83 = vector.broadcast %shift_left3A_82 : i32 to vector<16xi32>
      %shift_left3A_84 = arith.shli %scan3A_23#1, %shift_left3A_83 : vector<16xi32>
      %shift_left3A_85 = arith.constant 10 : i32
      %shift_left3A_86 = vector.broadcast %shift_left3A_85 : i32 to vector<16xi32>
      %shift_left3A_87 = arith.shli %scan3A_51#1, %shift_left3A_86 : vector<16xi32>
      %or3A_88 = arith.ori %shift_left3A_84, %shift_left3A_87 : vector<16xi32>
      %or3A_89 = arith.ori %or3A_88, %scan3A_80#1 : vector<16xi32>
      %bitcast3A = vector.bitcast %or3A_89 : vector<16xi32> to vector<16xf32>
      %swap3A = arith.constant 0 : index
      %swap3A_90 = tpu.vector_load %arg8[%swap3A] {strides = array<i32>} : memref<16xf32, #tpu.memory_space<vmem>>, vector<16xf32>,
      tpu.vector_store %arg8[%swap3A], %bitcast3A {strides = array<i32>} : memref<16xf32, #tpu.memory_space<vmem>>, vector<16xf32>,
      "tpu.region"() ({
        %run_scoped3A = tpu.sem_alloc : memref<!tpu.dma_semaphore, #tpu.memory_space<semaphore_mem>>
        %dma_start3A = arith.constant 0 : i32
        %dma_start3A_91 = tpu.memref_slice %arg4[%arg1, %dma_start3A] : memref<16x16xf32, #tpu.memory_space<hbm>> -> memref<1x16xf32, #tpu.memory_space<hbm>>
        %dma_start3A_92 = tpu.memref_squeeze %dma_start3A_91 : memref<1x16xf32, #tpu.memory_space<hbm>> -> memref<16xf32, #tpu.memory_space<hbm>>
        %dma_start3A_93 = arith.constant 0 : i32
        %dma_start3A_94 = tpu.memref_slice %arg4[%arg1, %dma_start3A_93] : memref<16x16xf32, #tpu.memory_space<hbm>> -> memref<1x16xf32, #tpu.memory_space<hbm>>
        %dma_start3A_95 = tpu.memref_squeeze %dma_start3A_94 : memref<1x16xf32, #tpu.memory_space<hbm>> -> memref<16xf32, #tpu.memory_space<hbm>>
        tpu.enqueue_dma source(%arg8 : memref<16xf32, #tpu.memory_space<vmem>>) target(%dma_start3A_95 : memref<16xf32, #tpu.memory_space<hbm>>) target_semaphore(%run_scoped3A : memref<!tpu.dma_semaphore, #tpu.memory_space<semaphore_mem>>)
        %dma_wait3A = arith.constant 0 : i32
        %dma_wait3A_96 = tpu.memref_slice %arg4[%arg1, %dma_wait3A] : memref<16x16xf32, #tpu.memory_space<hbm>> -> memref<1x16xf32, #tpu.memory_space<hbm>>
        %dma_wait3A_97 = tpu.memref_squeeze %dma_wait3A_96 : memref<1x16xf32, #tpu.memory_space<hbm>> -> memref<16xf32, #tpu.memory_space<hbm>>
        %dma_wait3A_98 = arith.constant 0 : i32
        %dma_wait3A_99 = tpu.memref_slice %arg4[%arg1, %dma_wait3A_98] : memref<16x16xf32, #tpu.memory_space<hbm>> -> memref<1x16xf32, #tpu.memory_space<hbm>>
        %dma_wait3A_100 = tpu.memref_squeeze %dma_wait3A_99 : memref<1x16xf32, #tpu.memory_space<hbm>> -> memref<16xf32, #tpu.memory_space<hbm>>
        tpu.wait_dma2 semaphore(%run_scoped3A : memref<!tpu.dma_semaphore, #tpu.memory_space<semaphore_mem>>) src(%arg8 : memref<16xf32, #tpu.memory_space<vmem>>) dst(%dma_wait3A_100 : memref<16xf32, #tpu.memory_space<hbm>>)
        tpu.yield
      }) : () -> ()
    } else {
    }
    return
  }
}

module attributes {stable_mosaic.version = 14 : i64} {
  func.func @_sumsq_body(%arg0: i32, %arg1: i32, %arg2: memref<1x64x8192xf32, #tpu.memory_space<vmem>>, %arg3: memref<1x1x8192xf32, #tpu.memory_space<vmem>>) attributes {dimension_semantics = [#tpu.dimension_semantics<parallel>, #tpu.dimension_semantics<parallel>], iteration_bounds = array<i64: 16, 4>, scalar_prefetch = 0 : i64, scratch_operands = 0 : i64, tpu.core_type = #tpu.core_type<tc>, window_params = [{transform_indices = @transform_0, window_bounds = array<i64: 1, 64, 8192>}, {transform_indices = @transform_1, window_bounds = array<i64: 1, 1, 8192>}]} {
    %get3A = arith.constant 0 : index
    %get3A_0 = arith.constant 0 : index
    %get3A_1 = arith.constant 0 : index
    %get3A_2 = vector.load %arg2[%get3A, %get3A_0, %get3A_1] : memref<1x64x8192xf32, #tpu.memory_space<vmem>>, vector<1x64x8192xf32>
    %mul3A = arith.mulf %get3A_2, %get3A_2 : vector<1x64x8192xf32>
    %reduce_sum3A = arith.constant dense<0.000000e+00> : vector<1x8192xf32>
    %reduce_sum3A_3 = vector.multi_reduction <add>, %mul3A, %reduce_sum3A [1] : vector<1x64x8192xf32> to vector<1x8192xf32>
    %broadcast_in_dim3A = vector.shape_cast %reduce_sum3A_3 : vector<1x8192xf32> to vector<1x1x8192xf32>
    %swap3A = arith.constant 0 : index
    %swap3A_4 = arith.constant 0 : index
    %swap3A_5 = arith.constant 0 : index
    %swap3A_6 = vector.load %arg3[%swap3A, %swap3A_4, %swap3A_5] : memref<1x1x8192xf32, #tpu.memory_space<vmem>>, vector<1x1x8192xf32>
    tpu.vector_store %arg3[%swap3A, %swap3A_4, %swap3A_5], %broadcast_in_dim3A {strides = array<i32>} : memref<1x1x8192xf32, #tpu.memory_space<vmem>>, vector<1x1x8192xf32>,
    return
  }
  func.func @transform_0(%arg0: i32, %arg1: i32) -> (i32, i32, i32) {
    %c0_i32 = arith.constant 0 : i32
    %c0_i32_0 = arith.constant 0 : i32
    return %arg0, %c0_i32, %arg1 : i32, i32, i32
  }
  func.func @transform_1(%arg0: i32, %arg1: i32) -> (i32, i32, i32) {
    %c0_i32 = arith.constant 0 : i32
    %c0_i32_0 = arith.constant 0 : i32
    return %arg0, %c0_i32, %arg1 : i32, i32, i32
  }
}

module attributes {stable_mosaic.version = 14 : i64} {
  func.func @_mask_body(%arg0: i32, %arg1: i32, %arg2: memref<1x64x8192xf32, #tpu.memory_space<vmem>>, %arg3: memref<1x1x8192xf32, #tpu.memory_space<vmem>>, %arg4: memref<16x16xf32, #tpu.memory_space<smem>>, %arg5: memref<1x64x8192xf32, #tpu.memory_space<vmem>>) attributes {dimension_semantics = [#tpu.dimension_semantics<parallel>, #tpu.dimension_semantics<parallel>], iteration_bounds = array<i64: 16, 4>, scalar_prefetch = 0 : i64, scratch_operands = 0 : i64, tpu.core_type = #tpu.core_type<tc>, window_params = [{transform_indices = @transform_0, window_bounds = array<i64: 1, 64, 8192>}, {transform_indices = @transform_1, window_bounds = array<i64: 1, 1, 8192>}, {transform_indices = @transform_2, window_bounds = array<i64: 16, 16>}, {transform_indices = @transform_3, window_bounds = array<i64: 1, 64, 8192>}]} {
    %get3A = arith.index_cast %arg0 : i32 to index
    %get3A_0 = arith.constant 0 : index
    %get3A_1 = memref.load %arg4[%get3A, %get3A_0] : memref<16x16xf32, #tpu.memory_space<smem>>
    %get3A_2 = arith.constant 0 : index
    %get3A_3 = arith.constant 0 : index
    %get3A_4 = arith.constant 0 : index
    %get3A_5 = vector.load %arg3[%get3A_2, %get3A_3, %get3A_4] : memref<1x1x8192xf32, #tpu.memory_space<vmem>>, vector<1x1x8192xf32>
    %ge3A = vector.broadcast %get3A_1 : f32 to vector<1x1x8192xf32>
    %ge3A_6 = arith.cmpf oge, %get3A_5, %ge3A : vector<1x1x8192xf32>
    %convert_element_type3A = arith.extui %ge3A_6 : vector<1x1x8192xi1> to vector<1x1x8192xi32>
    %convert_element_type3A_7 = arith.sitofp %convert_element_type3A : vector<1x1x8192xi32> to vector<1x1x8192xf32>
    %get3A_8 = arith.constant 0 : index
    %get3A_9 = arith.constant 0 : index
    %get3A_10 = arith.constant 0 : index
    %get3A_11 = vector.load %arg2[%get3A_8, %get3A_9, %get3A_10] : memref<1x64x8192xf32, #tpu.memory_space<vmem>>, vector<1x64x8192xf32>
    %mul3A = vector.broadcast %convert_element_type3A_7 : vector<1x1x8192xf32> to vector<1x64x8192xf32>
    %mul3A_12 = arith.mulf %get3A_11, %mul3A : vector<1x64x8192xf32>
    %swap3A = arith.constant 0 : index
    %swap3A_13 = arith.constant 0 : index
    %swap3A_14 = arith.constant 0 : index
    %swap3A_15 = vector.load %arg5[%swap3A, %swap3A_13, %swap3A_14] : memref<1x64x8192xf32, #tpu.memory_space<vmem>>, vector<1x64x8192xf32>
    tpu.vector_store %arg5[%swap3A, %swap3A_13, %swap3A_14], %mul3A_12 {strides = array<i32>} : memref<1x64x8192xf32, #tpu.memory_space<vmem>>, vector<1x64x8192xf32>,
    return
  }
  func.func @transform_0(%arg0: i32, %arg1: i32) -> (i32, i32, i32) {
    %c0_i32 = arith.constant 0 : i32
    %c0_i32_0 = arith.constant 0 : i32
    return %arg0, %c0_i32, %arg1 : i32, i32, i32
  }
  func.func @transform_1(%arg0: i32, %arg1: i32) -> (i32, i32, i32) {
    %c0_i32 = arith.constant 0 : i32
    %c0_i32_0 = arith.constant 0 : i32
    return %arg0, %c0_i32, %arg1 : i32, i32, i32
  }
  func.func @transform_2(%arg0: i32, %arg1: i32) -> (i32, i32) {
    %c0_i32 = arith.constant 0 : i32
    %c0_i32_0 = arith.constant 0 : i32
    %c0_i32_1 = arith.constant 0 : i32
    return %c0_i32, %c0_i32_0 : i32, i32
  }
  func.func @transform_3(%arg0: i32, %arg1: i32) -> (i32, i32, i32) {
    %c0_i32 = arith.constant 0 : i32
    %c0_i32_0 = arith.constant 0 : i32
    return %arg0, %c0_i32, %arg1 : i32, i32, i32
  }
}

</mosaic_0001>

<sc_bundles>
// kernel: kernel.5.cloned.1.call-start
scs
__scs_entry_jumppad:
0x0: {  	(pc) =	sbr.rel $0x88, $3  }
0x1: {  	(tag) =	ssettag $0x0;
	lr =	simm.s32 $0x1  }
0x2: {  	[smem:$0x3F9D] =	sst lr;
	_ =	strace $0xD0000000  }
0x3: {  	_ = 	snop  }
0x4: {  	_ = 	snop  }
0x5: {  	_ = 	snop  }
0x6: {  	_ = 	snop  }
0x7: {  	_ = 	snop  }
__scs_overlays_trampoline_lowered:
0x8: {  	[smem:$0x3FAC] =	sst s0  }
0x9: {  	[smem:$0x3FAD] =	sst s1  }
0xa: {  	[smem:$0x3FAE] =	sst s2  }
0xb: {  	[smem:$0x3FAF] =	sst s3  }
0xc: {  	[smem:$0x3FB0] =	sst s4  }
0xd: {  	[smem:$0x3FB1] =	sst s5  }
0xe: {  	[smem:$0x3FB2] =	sst s6  }
0xf: {  	[smem:$0x3FB3] =	sst s7  }
0x10: {  	[smem:$0x3FB4] =	sst s8  }
0x11: {  	[smem:$0x3FB5] =	sst s9;
	s0 =	simm.s32 @!p0 $0x0  }
0x12: {  	s1 =	sld [smem:$0x3F9B];
	s0 =	simm.s32 @p0 $0x1  }
0x13: {  	[smem:$0x3FB6] =	sst s0;
	s0 =	simm.s32 @!p1 $0x0  }
0x14: {  	s2 =	sld [smem:$0x3F9A];
	s0 =	simm.s32 @p1 $0x1  }
0x15: {  	[smem:$0x3FB7] =	sst s0;
	s0 =	simm.s32 @!p2 $0x0  }
0x16: {  	s3 =	sld [smem:$0x3FDB];
	s0 =	simm.s32 @p2 $0x1  }
0x17: {  	s4 =	simm.s32 $0x1BF5;
	[smem:$0x3FB9] =	sst s0  }
0x18: {  	s0 =	sld [smem:$0x3F9C];
	_ =	swait.ge [sflag:s4], $0x0  }
0x19: {  	s7 =	sld [smem:$0x3F9D]  }
0x1a: {  	s8 =	sadd.s32 $0xFFFFE003, lr  }
0x1b: {  	s9 =	sadd.s32 $0xFFFFFEF7, lr;
	s5 =	simm.s32 $0xFFFFFFFF;
	p2 =	slt.u32 s8, $0xFFFFF086  }
0x1c: {  	p1 =	slt.u32 s9, $0xF7A;
	s5 =	simm.s32 @!p2 $0x0  }
0x1d: {  	s5 =	simm.s32 @p1 $0x1;
	p0 =	seq.s32 s7, s2  }
0x1e: {  	s7 =	smul.u32 @!p0 $0xF7A, s2;
	p2 =	seq.s32 @!p0 s5, $0x0  }
0x1f: {  	s9 =	smul.u32 $0xF7A, s1;
	s8 =	simm.s32 @!p0 $0x1BF5;
	p2 =	por !p2, p0  }
0x20: {  	[sflag:s8] =	ssyncset.s32 @!p0 $0xFFFFF086;
	s6 =	sadd.s32 @!p0 s3, s7;
	s7 =	simm.s32 @!p0 $0x108  }
0x21: {  	s3 =	sadd.s32 s3, s9;
	s6 =	sadd.s32 @!p0 $0x88, s6;
	s7 =	simm.s32 @p2 $0x1082  }
0x22: {  	[simem:s7], [sflag:s8] =	dma.local @!p0 [hbm:s6], $0xF7A  }
0x23: {  	s9 =	sor.u32 $0xD0000000, s2;
	s6 =	simm.s32 $0x108;
	_ =	swait.ge @!p0 [sflag:s8], $0x0  }
0x24: {  	s3 =	sadd.s32 $0x88, s3;
	s6 =	simm.s32 @!p1 $0x1082;
	[sflag:s4] =	ssyncset.s32 $0xFFFFF086  }
0x25: {  	[simem:s6], [sflag:s4] =	dma.local [hbm:s3], $0xF7A  }
0x26: {  	[smem:$0x3F9D] =	sst s1;
	(tag) =	ssettag s2;
	_ =	strace s9  }
0x27: {  	s1 =	sld [smem:$0x3FAD]  }
0x28: {  	s2 =	sld [smem:$0x3FAE]  }
0x29: {  	s4 =	sld [smem:$0x3FB0]  }
0x2a: {  	p0 =	seq.s32 s5, $0x0;
	s5 =	sld [smem:$0x3FB1]  }
0x2b: {  	s6 =	sld [smem:$0x3FB2]  }
0x2c: {  	s7 =	sld [smem:$0x3FB3]  }
0x2d: {  	s3 =	simm.s32 $0x108;
	s8 =	sld [smem:$0x3FB4]  }
0x2e: {  	s3 =	simm.s32 @!p0 $0x1082;
	s9 =	sld [smem:$0x3FB5]  }
0x2f: {  	lr =	sadd.s32 s0, s3;
	s0 =	sld [smem:$0x3FAC]  }
0x30: {  	s3 =	sld [smem:$0x3FAF]  }
0x31: {  	[smem:$0x3FB8] =	sst s10  }
0x32: {  	s10 =	sld [smem:$0x3FB6];
	_ =	sdelay $0x3  }
0x33: {  	p0 =	seq.s32 s10, $0x1;
	s10 =	sld [smem:$0x3FB8];
	_ =	sdelay $0x3  }
0x34: {  	[smem:$0x3FB8] =	sst s10  }
0x35: {  	s10 =	sld [smem:$0x3FB7];
	_ =	sdelay $0x3  }
0x36: {  	p1 =	seq.s32 s10, $0x1;
	s10 =	sld [smem:$0x3FB8];
	_ =	sdelay $0x3  }
0x37: {  	[smem:$0x3FB8] =	sst s10  }
0x38: {  	s10 =	sld [smem:$0x3FB9]  }
0x39: {  	_ = 	snop;
	(pc) =	sbr.ind lr, $3  }
0x3a: {  	_ = 	snop  }
0x3b: {  	_ = 	snop  }
0x3c: {  	p2 =	seq.s32 s10, $0x1;
	s10 =	sld [smem:$0x3FB8]  }
0x3d: {  	_ =	shalt  }
0x3e: {  	_ =	shalt  }
0x3f: {  	_ =	shalt  }
0x40: {  	_ =	shalt  }
0x41: {  	_ =	shalt  }
0x42: {  	_ =	shalt  }
0x43: {  	_ =	shalt  }
0x44: {  	_ =	shalt  }
0x45: {  	_ =	shalt  }
0x46: {  	_ =	shalt  }
0x47: {  	_ =	shalt  }
0x48: {  	_ =	shalt  }
0x49: {  	_ =	shalt  }
0x4a: {  	_ =	shalt  }
0x4b: {  	_ =	shalt  }
0x4c: {  	_ =	shalt  }
0x4d: {  	_ =	shalt  }
0x4e: {  	_ =	shalt  }
0x4f: {  	_ =	shalt  }
0x50: {  	_ =	shalt  }
0x51: {  	_ =	shalt  }
0x52: {  	_ =	shalt  }
0x53: {  	_ =	shalt  }
0x54: {  	_ =	shalt  }
0x55: {  	_ =	shalt  }
0x56: {  	_ =	shalt  }
0x57: {  	_ =	shalt  }
0x58: {  	_ =	shalt  }
0x59: {  	_ =	shalt  }
0x5a: {  	_ =	shalt  }
0x5b: {  	_ =	shalt  }
0x5c: {  	_ =	shalt  }
0x5d: {  	_ =	shalt  }
0x5e: {  	_ =	shalt  }
0x5f: {  	_ =	shalt  }
0x60: {  	_ =	shalt  }
0x61: {  	_ =	shalt  }
0x62: {  	_ =	shalt  }
0x63: {  	_ =	shalt  }
0x64: {  	_ =	shalt  }
0x65: {  	_ =	shalt  }
0x66: {  	_ =	shalt  }
0x67: {  	_ =	shalt  }
0x68: {  	_ =	shalt  }
0x69: {  	_ =	shalt  }
0x6a: {  	_ =	shalt  }
0x6b: {  	_ =	shalt  }
0x6c: {  	_ =	shalt  }
0x6d: {  	_ =	shalt  }
0x6e: {  	_ =	shalt  }
0x6f: {  	_ =	shalt  }
0x70: {  	_ =	shalt  }
0x71: {  	_ =	shalt  }
0x72: {  	_ =	shalt  }
0x73: {  	_ =	shalt  }
0x74: {  	_ =	shalt  }
0x75: {  	_ =	shalt  }
0x76: {  	_ =	shalt  }
0x77: {  	_ =	shalt  }
0x78: {  	_ =	shalt  }
0x79: {  	_ =	shalt  }
0x7a: {  	_ =	shalt  }
0x7b: {  	_ =	shalt  }
0x7c: {  	_ =	shalt  }
0x7d: {  	_ =	shalt  }
0x7e: {  	_ =	shalt  }
0x7f: {  	_ =	shalt  }
0x80: {  	_ =	shalt  }
0x81: {  	_ =	shalt  }
0x82: {  	_ =	shalt  }
0x83: {  	_ =	shalt  }
0x84: {  	_ =	shalt  }
0x85: {  	_ =	shalt  }
0x86: {  	_ =	shalt  }
0x87: {  	_ =	shalt  }
.Lfunc_end0:
.L_simem_size_0:
called_computation_lowered:
.L_overlay_start_0:
0x88: {  	s2 =	sld [smem:$0x3FD9]  }
0x89: {  	s3 =	sld [smem:$0x3FFE];
	_ =	sdelay $0x1  }
0x8a: {  	s1 =	srdreg.scid  }
0x8b: {  	s0 =	sand.u32 $0x1, s1  }
0x8c: {  	s17 =	sshll.u32 s0, $0xA;
	s2 =	sadd.s32 s3, s2  }
0x8d: {  	s2 =	sadd.s32 s2, s17  }
0x8e: {  	[smem:$0x3FC4] =	sst s2  }
0x8f: {  	_ = 	snop  }
0x90: {  	s2 =	sld [smem:$0x3FD0];
	(tm) =	ssettm $0x1  }
0x91: {  	s18 =	sld [smem:$0x3FFB];
	_ =	sdelay $0x3  }
0x92: {  	_ =	strace s18  }
0x93: {  	s3 =	sld [smem:$0x3FFC];
	_ =	sdelay $0x3  }
0x94: {  	_ =	strace s3  }
0x95: {  	s3 =	sld [smem:$0x3FFD];
	_ =	sdelay $0x3  }
0x96: {  	_ =	strace s3  }
0x97: {  	_ =	strace $0x8FFFFFFF  }
0x98: {  	s19 =	sld [smem:$0x3FDB];
	_ =	sdelay $0x1  }
0x99: {  	s4 =	simm.s32 $_scs_section_size  }
0x9a: {  	s5 =	simm.s32 $_size__tile_overlayer_lowered;
	s6 =	simm.s32 $_tile_overlayer_lowered  }
0x9b: {  	s22 =	simm.s32 $0x1BFF;
	s21 =	sshll.u32 s6, $0x1;
	s3 =	sadd.s32 s4, s19  }
0x9c: {  	s7 =	simm.s32 $0x0;
	s20 =	sshll.u32 s5, $0x1;
	s5 =	sadd.s32 s21, s3  }
0x9d: {  	[timem:s7], [sflag:s22] =	dma.local [hbm:s5], s20  }
0x9e: {  	_ =	swait.ge [sflag:s22], s20  }
0x9f: {  	s4 =	ssub.s32 $0x0, s20;
	[sflag:s22] =	ssyncset.done $0x0  }
0xa0: {  	[sflag:s22] =	ssyncadd.s32 s4;
	_ =	sdelay $0x1  }
0xa1: {  	s23 =	simm.s32 $0x1B8B  }
0xa2: {  	_ =	swait.ge [sflag:s23], $0x1  }
0xa3: {  	[sflag:s23] =	ssyncset.done $0x0  }
0xa4: {  	s25 =	simm.s32 $0x1B8E;
	s24 =	sld [smem:$0x3FFE];
	[sflag:s23] =	ssyncadd.s32 $0xFFFFFFFF  }
0xa5: {  	s26 =	simm.s32 $execute0_lowered;
	[smem:$0x3FD2] =	sst s25  }
0xa6: {  	s5 =	sshll.u32 s26, $0x1;
	_ =	strace $0x80000046;
	[dreg:$0x1] =	wrdreg $0xFFFFFFFF  }
0xa7: {  	s28 =	simm.s32 $_size_execute0_lowered;
	s3 =	sadd.s32 s3, s5;
	[dreg:$0x0] =	wrdreg $0x0  }
0xa8: {  	s5 =	sshll.u32 s28, $0x1;
	[dreg:$0x2] =	wrdreg s3  }
0xa9: {  	[dreg:$0x3] =	wrdreg s5  }
0xaa: {  	[dreg:$0x4] =	wrdreg $0xC0  }
0xab: {  	_ =	task [dreg:s7], $0x5FFFF  }
0xac: {  	[dreg:$0x1] =	wrdreg $0xFFFFFFFF  }
0xad: {  	[dreg:$0x0] =	wrdreg $0x60  }
0xae: {  	[dreg:$0x2] =	wrdreg s2  }
0xaf: {  	[dreg:$0x3] =	wrdreg s24  }
0xb0: {  	[dreg:$0x4] =	wrdreg $0x9  }
0xb1: {  	_ =	task.clear_ibuf [dreg:s7], $0x5FFFF;
	_ =	strace $0x90000046  }
0xb2: {  	s29 =	simm.s32 $0x9;
	_ =	strace $0x80000048  }
0xb3: {  	_ =	swait.ge [sflag:s29], $0x1  }
0xb4: {  	[sflag:s29] =	ssyncadd.s32 $0xFFFFFFFF  }
0xb5: {  	_ =	strace $0x90000048  }
0xb6: {  	_ =	sfence  }
0xb7: {  	s30 =	sld [smem:$0x0];
	_ =	sdelay $0x2  }
0xb8: {  	s31 =	sshll.u32 s1, $0xD;
	s1 =	sshrl.u32 s1, $0x2  }
0xb9: {  	s3 =	sand.u32 $0x4000, s31;
	s1 =	sadd.s32 s1, s30  }
0xba: {  	s0 =	sor.u32 s3, s0;
	s1 =	sshll.u32 s1, $0x11  }
0xbb: {  	s0 =	sor.u32 s1, s0  }
0xbc: {  	s0 =	sadd.s32 $0x8F2B, s0  }
0xbd: {  	[sflag:s0] =	ssyncadd.remote.s32 $0x1  }
0xbe: {  	_ =	sfence.sel $0xFFFF  }
0xbf: {  	[dreg:$0x0] =	wrdreg $0xFFFFFFFF;
	(pc) =	sbr.abs _section_cstart, $3  }
0xc0: {  	[dreg:$0x1] =	wrdreg $0xFFFFFFFF  }
0xc1: {  	_ =	task.clear_ibuf [dreg:s7], $0x2FFFF;
	_ =	strace $0x9FFFFFFF  }
0xc2: {  	(tm) =	ssettm $0x7FFFFFFF  }
0xc3: {  	_ =	shalt  }
tec
execute0_lowered:
.L_overlay_start_1:
0x0: {  	(tag) =	ssettag $0x1  }
0x1: {  	s1 =	srdreg.scid  }
0x2: {  	s1 =	sand.u32 $0x1, s1  }
0x3: {  	p0 =	seq.s32 s1, $0x1  }
.Ltmp0:
0x4: {  	_ = 	snop;
	(pc) =	sbr.rel @p0 .LBB2_16-.Ltmp0, $4  }
0x5: {  	s4 =	rddreg [dreg:$0x0]  }
0x6: {  	s2 =	rddreg [dreg:$0x1];
	s3 =	simm.s32 $0x0  }
0x7: {  	[smem:$0x7FF] =	sst s3  }
0x8: {  	s0 =	rddreg [dreg:$0x2];
	_ =	strace $0x80000047;
	s1 =	stileid.u32  }
0x9: {  	s5 =	sshrl.u32 s1, $0x3;
	s6 =	sshll.u32 s1, $0x7  }
0xa: {  	s6 =	sand.u32 $0x380, s6;
	s7 =	sshll.u32 s5, $0x12  }
0xb: {  	s7 =	sor.u32 s6, s7  }
0xc: {  	s25 =	simm.s32 $0x80;
	s8 =	simm.s32 $0x400;
	s7 =	sshrl.u32 s7, $0x3  }
0xd: {  	s28 =	simm.s32 $0x1;
	s26 =	sshll.u32 s5, $0xA;
	s4 =	sadd.s32 s4, s7  }
0xe: {  	[tilespmem:s3], [sflag:$0x1] =	stream.strided.gather [hbm4b:s4+s25], $0x8000, s8, s25, $0x38;
	[tilespmem:$0x8900] =	vst v63  }
0xf: {  	s4 =	sor.u32 s6, s26;
	_ =	swait.ge [sflag:s28], $0x8000  }
0x10: {  	s29 =	sadd.s32 $0xA00, s2;
	s4 =	sshrl.u32 s4, $0x3;
	[sflag:s28] =	ssyncset.done $0x0  }
0x11: {  	s30 =	simm.s32 $0x8000;
	s6 =	sadd.s32 s29, s4;
	[sflag:s28] =	ssyncadd.s32 $0xFFFF8000  }
0x12: {  	[tilespmem:s30], [sflag:$0x1] =	stream.linear.gather [hbm4b:s6+s3], $0x80, $0x38;
	[tilespmem:$0x8900] =	vst v63  }
0x13: {  	_ =	swait.ge [sflag:s28], $0x80  }
0x14: {  	[sflag:s28] =	ssyncset.done $0x0  }
0x15: {  	v0 =	vimm.s32 $0x0;
	s3 =	simm.s32 $0x80C0;
	[sflag:s28] =	ssyncadd.s32 $0xFFFFFF80  }
0x16: {  	v1 =	vld [tilespmem:$0x8000];
	[tilespmem:s3+$0xFFFFFFC0] =	vst v0  }
0x17: {  	[tilespmem:s3+$0x30] =	vst v0  }
0x18: {  	[tilespmem:s3+$0x20] =	vst v0  }
0x19: {  	[tilespmem:s3+$0x10] =	vst v0  }
0x1a: {  	[tilespmem:s3+$0x0] =	vst v0  }
0x1b: {  	s31 =	sadd.s32 s4, s2;
	[tilespmem:s3+$0xFFFFFFF0] =	vst v0  }
0x1c: {  	s4 =	simm.s32 $0x0;
	s2 =	sadd.s32 $0xC00, s31;
	[tilespmem:s3+$0xFFFFFFE0] =	vst v0  }
.LBB2_2:
0x1d: {  	s4 =	sadd.s32 $0x8, s4;
	[tilespmem:s3+$0xFFFFFFD0] =	vst v0;
	s3 =	sadd.s32 $0x80, s3  }
0x1e: {  	[tilespmem:s3+$0xFFFFFFC0] =	vst v0;
	p0 =	slt.u32 s4, $0x78  }
0x1f: {  	[tilespmem:s3+$0x30] =	vst v0  }
.Ltmp1:
0x20: {  	[tilespmem:s3+$0x20] =	vst v0;
	(pc) =	sbr.rel @p0 .LBB2_2-.Ltmp1, $4  }
0x21: {  	[tilespmem:s3+$0x10] =	vst v0  }
0x22: {  	[tilespmem:s3+$0x0] =	vst v0  }
0x23: {  	[tilespmem:s3+$0xFFFFFFF0] =	vst v0  }
0x24: {  	[tilespmem:s3+$0xFFFFFFE0] =	vst v0  }
0x25: {  	[tilespmem:s3+$0xFFFFFFD0] =	vst v0;
	s3 =	simm.s32 $0xFFFFFFF8;
	s4 =	simm.s32 $0x40;
	v0 =	vimm.s32 $0x1;
	s5 =	simm.s32 $0x8080  }
.LBB2_4:
0x26: {  	v2 =	vld [tilespmem:s4+$0xFFFFFFC0];
	_ =	sdelay $0x4  }
0x27: {  	v2 =	vshrl.u32 v2, $0x14;
	_ =	sdelay $0x4  }
0x28: {  	[tilespmem:v2+s5+$0x0] =	vst.idx.add.s32.msk $0xffff, v0  }
0x29: {  	v2 =	vld [tilespmem:s4+$0xFFFFFFD0];
	_ =	sdelay $0x4  }
0x2a: {  	v2 =	vshrl.u32 v2, $0x14;
	_ =	sdelay $0x4  }
0x2b: {  	[tilespmem:v2+s5+$0x0] =	vst.idx.add.s32.msk $0xffff, v0  }
0x2c: {  	v2 =	vld [tilespmem:s4+$0xFFFFFFE0];
	_ =	sdelay $0x4  }
0x2d: {  	v2 =	vshrl.u32 v2, $0x14;
	_ =	sdelay $0x4  }
0x2e: {  	[tilespmem:v2+s5+$0x0] =	vst.idx.add.s32.msk $0xffff, v0  }
0x2f: {  	v2 =	vld [tilespmem:s4+$0xFFFFFFF0];
	_ =	sdelay $0x4  }
0x30: {  	v2 =	vshrl.u32 v2, $0x14;
	_ =	sdelay $0x4  }
0x31: {  	[tilespmem:v2+s5+$0x0] =	vst.idx.add.s32.msk $0xffff, v0  }
0x32: {  	v2 =	vld [tilespmem:s4+$0x0];
	_ =	sdelay $0x4  }
0x33: {  	v2 =	vshrl.u32 v2, $0x14;
	_ =	sdelay $0x4  }
0x34: {  	[tilespmem:v2+s5+$0x0] =	vst.idx.add.s32.msk $0xffff, v0  }
0x35: {  	v2 =	vld [tilespmem:s4+$0x10];
	_ =	sdelay $0x4  }
0x36: {  	v2 =	vshrl.u32 v2, $0x14;
	_ =	sdelay $0x4  }
0x37: {  	[tilespmem:v2+s5+$0x0] =	vst.idx.add.s32.msk $0xffff, v0  }
0x38: {  	v2 =	vld [tilespmem:s4+$0x20];
	_ =	sdelay $0x4  }
0x39: {  	v2 =	vshrl.u32 v2, $0x14;
	_ =	sdelay $0x4  }
0x3a: {  	[tilespmem:v2+s5+$0x0] =	vst.idx.add.s32.msk $0xffff, v0  }
0x3b: {  	v2 =	vld [tilespmem:s4+$0x30];
	_ =	sdelay $0x3  }
0x3c: {  	s3 =	sadd.s32 $0x8, s3  }
0x3d: {  	p0 =	slt.u32 s3, $0x7F8;
	v2 =	vshrl.u32 v2, $0x14  }
.Ltmp2:
0x3e: {  	_ = 	snop;
	(pc) =	sbr.rel @p0 .LBB2_4-.Ltmp2, $2  }
0x3f: {  	_ =	sdelay $0x2  }
0x40: {  	s4 =	sadd.s32 $0x80, s4;
	[tilespmem:v2+s5+$0x0] =	vst.idx.add.s32.msk $0xffff, v0  }
0x41: {  	s3 =	simm.s32 $0x80A0  }
0x42: {  	v0 =	vld [tilespmem:s3+$0xFFFFFFE0]  }
0x43: {  	v3 =	vld [tilespmem:s3+$0xFFFFFFF0];
	_ =	sdelay $0x2  }
0x44: {  	v4 =	vld [tilespmem:s3+$0x0]  }
0x45: {  	v5 =	vld [tilespmem:s3+$0x10];
	(xrf0) =	vadd.scan.msk.s32 $0xffff, v0  }
0x46: {  	(xrf0) =	vadd.scan.msk.s32 $0xffff, v3;
	_ =	sdelay $0x2  }
0x47: {  	(xrf0) =	vadd.scan.msk.s32 $0xffff, v4  }
0x48: {  	(xrf0) =	vadd.scan.msk.s32 $0xffff, v5  }
0x49: {  	v6, _, _ =	vpop (xrf0)  }
0x4a: {  	vm0 =	vmmov $0x7fff;
	v7, _, _ =	vpop (xrf0)  }
0x4b: {  	s26 =	simm.s32 $0x80E0;
	v8 =	vsel vm0, $0x0, v7  }
0x4c: {  	v9 =	vld [tilespmem:s26+$0xFFFFFFE0];
	v2 =	vsel vm0, $0x0, v6  }
0x4d: {  	v11 =	vld [tilespmem:s26+$0xFFFFFFF0];
	(xrf0) =	vadd.scan.msk.s32 $0xffff, v2;
	v10, _, _ =	vpop (xrf0)  }
0x4e: {  	v2 =	vsel vm0, $0x0, v10;
	(xrf0) =	vadd.scan.msk.s32 $0xffff, v8;
	v8, _, _ =	vpop (xrf0)  }
0x4f: {  	(xrf0) =	vadd.scan.msk.s32 $0xffff, v2;
	v2 =	vsel vm0, $0x0, v8  }
0x50: {  	(xrf0) =	vadd.scan.msk.s32 $0xffff, v2  }
0x51: {  	(xrf0) =	vadd.scan.msk.s32 $0xffff, v9  }
0x52: {  	v12 =	vld [tilespmem:s26+$0x0];
	(xrf0) =	vadd.scan.msk.s32 $0xffff, v11  }
0x53: {  	v14 =	vld [tilespmem:s26+$0x10];
	v13, _, _ =	vpop (xrf0)  }
0x54: {  	v15, _, _ =	vpop (xrf0)  }
0x55: {  	v16, _, _ =	vpop (xrf0)  }
0x56: {  	v17, _, _ =	vpop (xrf0)  }
0x57: {  	(xrf0) =	vadd.scan.msk.s32 $0xffff, v12;
	v19, _, _ =	vpop (xrf0)  }
0x58: {  	v22 =	vimm.s32 $0x0;
	(xrf0) =	vadd.scan.msk.s32 $0xffff, v14;
	v2 =	vsel vm0, $0x0, v19;
	v18, _, _ =	vpop (xrf0)  }
0x59: {  	v0 =	vsub.s32 v22, v0;
	v20 =	vsel vm0, $0x0, v18;
	(xrf0) =	vadd.scan.msk.s32 $0xffff, v2  }
0x5a: {  	v6 =	vadd.s32 v6, v0;
	v2 =	vsub.s32 $0x8000, v1;
	(xrf0) =	vadd.scan.msk.s32 $0xffff, v20  }
0x5b: {  	v0 =	vlaneseq.u32;
	vm1 =	vle.s32 v6, v2  }
0x5c: {  	v10 =	vsub.s32 v10, v4;
	v4 =	vbroadcast v13, $0xF;
	v23 =	vmpcnt.ones.xlane vm1  }
0x5d: {  	v7 =	vsub.s32 v7, v3;
	v21 =	vsub.s32 v8, v5;
	v15 =	vbroadcast v15, $0xF;
	v20, _, _ =	vpop (xrf0)  }
0x5e: {  	s28 =	simm.s32 $0x8120;
	v4 =	vadd.s32 v22, v4;
	v16 =	vbroadcast v16, $0xF;
	v24, _, _ =	vpop (xrf0);
	v25 =	vadd.s32 $0xFFFFFFFF, v23  }
0x5f: {  	v3 =	vld [tilespmem:s28+$0xFFFFFFE0];
	v7 =	vadd.s32 v4, v7;
	v5 =	vsub.s32 v18, v11;
	vm1 =	veq.s32 v25, v0;
	v26, _, _ =	vpop (xrf0)  }
0x60: {  	v27 =	vld [tilespmem:s28+$0xFFFFFFF0];
	v11 =	vsel vm0, $0x0, v20;
	v18 =	vsel vm0, $0x0, v24;
	v13 =	vnsel vm1, $0x0, v6;
	v6, _, _ =	vpop (xrf0)  }
0x61: {  	(xrf0) =	vadd.scan.msk.s32 $0xffff, v11;
	v11 =	vadd.s32 v4, v15;
	v15 =	vbroadcast v17, $0xF;
	v8 =	vbroadcast v6, $0xF;
	v6 =	vld [tilespmem:s28+$0x0]  }
0x62: {  	v4 =	vld [tilespmem:s28+$0x10];
	vm1 =	vle.s32 v7, v2;
	v10 =	vadd.s32 v11, v10;
	v11 =	vadd.s32 v11, v16;
	(xrf0) =	vadd.scan.msk.s32 $0xffff, v13  }
0x63: {  	v17 =	vmpcnt.ones.xlane vm1;
	vm1 =	vle.s32 v10, v2;
	v16 =	vadd.s32 v11, v21;
	(xrf0) =	vadd.scan.msk.s32 $0xffff, v18  }
0x64: {  	v28 =	vmpcnt.ones.xlane vm1;
	vm1 =	vle.s32 v16, v2;
	(xrf0) =	vadd.scan.msk.s32 $0xffff, v3  }
0x65: {  	s29 =	simm.s32 $0x10;
	v15 =	vadd.s32 v11, v15;
	v11 =	vadd.s32 $0xFFFFFFFF, v17;
	v29 =	vmpcnt.ones.xlane vm1;
	(xrf0) =	vadd.scan.msk.s32 $0xffff, v27  }
0x66: {  	vm1 =	veq.s32 v11, v0;
	v30 =	vadd.s32 s29, v11;
	v11 =	vadd.s32 $0xFFFFFFFF, v28;
	(xrf0) =	vadd.scan.msk.s32 $0xffff, v6  }
0x67: {  	v9 =	vsub.s32 v15, v9;
	v13, _, _ =	vpop (xrf0);
	v7 =	vnsel vm1, $0x0, v7;
	vm1 =	veq.s32 v11, v0;
	(xrf0) =	vadd.scan.msk.s32 $0xffff, v4  }
0x68: {  	s3 =	simm.s32 $0x0;
	v10 =	vnsel vm1, $0x0, v10;
	v31, _, _ =	vpop (xrf0);
	(xrf0) =	vadd.scan.msk.s32 $0xffff, v7  }
0x69: {  	v25 =	vadd.s32 s3, v25;
	v33 =	vadd.s32 v19, v9;
	v21 =	vadd.s32 $0xFFFFFFFF, v29;
	v18, _, _ =	vpop (xrf0);
	(xrf0) =	vadd.scan.msk.s32 $0xffff, v10  }
0x6a: {  	s30 =	simm.s32 $0x20;
	v19 =	vsub.s32 v20, v12;
	v20 =	vsub.s32 v24, v14;
	vm1 =	veq.s32 v21, v0;
	v9, _, _ =	vpop (xrf0)  }
0x6b: {  	v32 =	vadd.s32 s30, v11;
	v7 =	vnsel vm1, $0x0, v16;
	vm1 =	vle.s32 v33, v2;
	v10, _, _ =	vpop (xrf0)  }
0x6c: {  	v12 =	vbroadcast v31, $0xF;
	v16 =	vmpcnt.ones.xlane vm1;
	vm1 =	vgt.s32 v23, $0x0;
	(xrf0) =	vadd.scan.msk.s32 $0xffff, v7;
	v11, _, _ =	vpop (xrf0)  }
0x6d: {  	v7 =	vsel vm0, $0x0, v9;
	v14 =	vsub.s32 v10, v27;
	v24 =	vsel vm0, $0x0, v10;
	v10, _, _ =	vpop (xrf0)  }
0x6e: {  	v25 =	vsel vm1, v25, v22;
	v12 =	vsel vm1, v12, v22;
	(xrf0) =	vadd.scan.msk.s32 $0xffff, v7;
	v22, _, _ =	vpop (xrf0)  }
0x6f: {  	v7 =	vadd.s32 $0xFFFFFFFF, v16;
	v23 =	vsel vm0, $0x0, v11;
	v62, _, _ =	vpop (xrf0);
	(xrf0) =	vadd.scan.msk.s32 $0xffff, v24  }
0x70: {  	vm2 =	vgt.s32 v17, $0x0;
	vm1 =	veq.s32 v7, v0;
	(xrf0) =	vadd.scan.msk.s32 $0xffff, v23  }
0x71: {  	s31 =	simm.s32 $0x30;
	vm3 =	vgt.s32 v28, $0x0;
	v27 =	vnsel vm1, $0x0, v33;
	v22 =	vbroadcast v22, $0xF  }
0x72: {  	v21 =	vadd.s32 s31, v21;
	v25 =	vsel vm2, v30, v25;
	v17 =	vbroadcast v62, $0xF;
	v24, _, _ =	vpop (xrf0);
	(xrf0) =	vadd.scan.msk.s32 $0xffff, v27  }
0x73: {  	v25 =	vsel vm3, v32, v25;
	v63 =	vsel vm2, v22, v12;
	v22 =	vbroadcast v24, $0xF  }
0x74: {  	s4 =	simm.s32 $0x8;
	s5 =	simm.s32 $0x8160;
	vm1 =	vgt.s32 v29, $0x0;
	v23 =	vbroadcast v26, $0xF;
	v12, _, _ =	vpop (xrf0);
	v24 =	vsel vm3, v17, v63  }
.LBB2_6:
0x75: {  	v17 =	vld [tilespmem:s5+$0xFFFFFFE0];
	s4 =	sadd.s32 $0x4, s4;
	v26 =	vsel vm0, $0x0, v10;
	v27, _, _ =	vpop (xrf0);
	v25 =	vsel vm1, v21, v25;
	v22 =	vsel vm1, v22, v24;
	s3 =	sadd.s32 $0x40, s3  }
0x76: {  	v30 =	vbroadcast v13, $0xF;
	v24 =	vld [tilespmem:s5+$0xFFFFFFF0];
	p0 =	slt.u32 s4, $0x7C;
	v21 =	vbroadcast v27, $0xF;
	(xrf0) =	vadd.scan.msk.s32 $0xffff, v26;
	v15 =	vadd.s32 v15, v23;
	v13, _, _ =	vpop (xrf0)  }
0x77: {  	v28 =	vmovc v16;
	v26 =	vld [tilespmem:s5+$0x0];
	v27 =	vadd.s32 v15, v5;
	v31 =	vadd.s32 v15, v8;
	v15 =	vbroadcast v18, $0xF;
	v5 =	vmovc v14  }
0x78: {  	v29 =	vld [tilespmem:s5+$0x10];
	vm1 =	vle.s32 v27, v2;
	v14 =	vadd.s32 v31, v19;
	v16 =	vadd.s32 v31, v30;
	v23, _, _ =	vpop (xrf0)  }
0x79: {  	v8 =	vmovc v21;
	v30 =	vmpcnt.ones.xlane vm1;
	vm1 =	vle.s32 v14, v2;
	v19 =	vadd.s32 v16, v20  }
0x7a: {  	v15 =	vadd.s32 v16, v15;
	(xrf0) =	vadd.scan.msk.s32 $0xffff, v17;
	v31 =	vmpcnt.ones.xlane vm1;
	vm1 =	vle.s32 v19, v2  }
0x7b: {  	s6 =	sadd.s32 $0x10, s3;
	v16 =	vsub.s32 v15, v3;
	v3 =	vmovc v17;
	(xrf0) =	vadd.scan.msk.s32 $0xffff, v24;
	v20 =	vadd.s32 $0xFFFFFFFF, v30;
	v32 =	vmpcnt.ones.xlane vm1  }
0x7c: {  	(xrf0) =	vadd.scan.msk.s32 $0xffff, v26;
	v18, _, _ =	vpop (xrf0);
	vm1 =	veq.s32 v20, v0;
	v17 =	vadd.s32 s6, v20;
	v20 =	vadd.s32 $0xFFFFFFFF, v31  }
0x7d: {  	s6 =	sadd.s32 $0x20, s3;
	(xrf0) =	vadd.scan.msk.s32 $0xffff, v29;
	v21 =	vnsel vm1, $0x0, v27;
	vm1 =	veq.s32 v20, v0;
	v27 =	vadd.s32 $0xFFFFFFFF, v32  }
0x7e: {  	v33 =	vadd.s32 s6, v20;
	s6 =	sadd.s32 $0x30, s3;
	v14 =	vnsel vm1, $0x0, v14;
	vm1 =	veq.s32 v27, v0;
	(xrf0) =	vadd.scan.msk.s32 $0xffff, v21  }
0x7f: {  	v34 =	vadd.s32 v9, v16;
	v21 =	vadd.s32 s6, v27;
	v16 =	vnsel vm1, $0x0, v19;
	(xrf0) =	vadd.scan.msk.s32 $0xffff, v14  }
0x80: {  	vm1 =	vle.s32 v34, v2;
	v19 =	vsub.s32 v11, v6;
	v6 =	vbroadcast v23, $0xF;
	v9, _, _ =	vpop (xrf0);
	(xrf0) =	vadd.scan.msk.s32 $0xffff, v16  }
0x81: {  	v20 =	vsub.s32 v10, v4;
	v16 =	vmpcnt.ones.xlane vm1;
	v27 =	vsel vm0, $0x0, v9;
	v23, _, _ =	vpop (xrf0)  }
0x82: {  	vm1 =	vgt.s32 v28, $0x0;
	v14 =	vsub.s32 v23, v24;
	v4 =	vsel vm0, $0x0, v23;
	(xrf0) =	vadd.scan.msk.s32 $0xffff, v27;
	v11, _, _ =	vpop (xrf0)  }
0x83: {  	v23 =	vsel vm0, $0x0, v11;
	(xrf0) =	vadd.scan.msk.s32 $0xffff, v4;
	v10, _, _ =	vpop (xrf0);
	v4 =	vadd.s32 s3, v7;
	v7 =	vadd.s32 $0xFFFFFFFF, v16  }
.Ltmp3:
0x84: {  	v6 =	vsel vm1, v6, v22;
	(xrf0) =	vadd.scan.msk.s32 $0xffff, v23;
	vm2 =	veq.s32 v7, v0;
	v4 =	vsel vm1, v4, v25;
	v22, _, _ =	vpop (xrf0);
	(pc) =	sbr.rel @p0 .LBB2_6-.Ltmp3, $4  }
0x85: {  	vm1 =	vgt.s32 v32, $0x0;
	v25 =	vnsel vm2, $0x0, v34;
	v22 =	vbroadcast v22, $0xF;
	v24, _, _ =	vpop (xrf0)  }
0x86: {  	vm3 =	vgt.s32 v31, $0x0;
	vm2 =	vgt.s32 v30, $0x0;
	(xrf0) =	vadd.scan.msk.s32 $0xffff, v25;
	v24 =	vbroadcast v24, $0xF;
	v23, _, _ =	vpop (xrf0)  }
0x87: {  	v17 =	vsel vm2, v17, v4;
	v27 =	vsel vm2, v22, v6;
	v22 =	vbroadcast v23, $0xF;
	v6 =	vmovc v26;
	v4 =	vmovc v29  }
0x88: {  	s5 =	sadd.s32 $0x40, s5;
	v23 =	vbroadcast v12, $0xF;
	v25 =	vsel vm3, v33, v17;
	v12, _, _ =	vpop (xrf0);
	v24 =	vsel vm3, v24, v27  }
0x89: {  	v17 =	vimm.s32 $0x0  }
0x8a: {  	[tilespmem:$0x8080] =	vst v17  }
0x8b: {  	[tilespmem:$0x8090] =	vst v17  }
0x8c: {  	[tilespmem:$0x80A0] =	vst v17  }
0x8d: {  	[tilespmem:$0x80B0] =	vst v17  }
0x8e: {  	[tilespmem:$0x80C0] =	vst v17  }
0x8f: {  	[tilespmem:$0x80D0] =	vst v17  }
0x90: {  	[tilespmem:$0x80E0] =	vst v17  }
0x91: {  	[tilespmem:$0x80F0] =	vst v17  }
0x92: {  	[tilespmem:$0x8100] =	vst v17  }
0x93: {  	[tilespmem:$0x8110] =	vst v17  }
0x94: {  	[tilespmem:$0x8120] =	vst v17  }
0x95: {  	[tilespmem:$0x8130] =	vst v17  }
0x96: {  	[tilespmem:$0x8140] =	vst v17  }
0x97: {  	[tilespmem:$0x8150] =	vst v17  }
0x98: {  	[tilespmem:$0x8160] =	vst v17  }
0x99: {  	[tilespmem:$0x8170] =	vst v17  }
0x9a: {  	[tilespmem:$0x8180] =	vst v17  }
0x9b: {  	[tilespmem:$0x8190] =	vst v17  }
0x9c: {  	[tilespmem:$0x81A0] =	vst v17  }
0x9d: {  	[tilespmem:$0x81B0] =	vst v17  }
0x9e: {  	[tilespmem:$0x81C0] =	vst v17  }
0x9f: {  	[tilespmem:$0x81D0] =	vst v17  }
0xa0: {  	[tilespmem:$0x81E0] =	vst v17  }
0xa1: {  	[tilespmem:$0x81F0] =	vst v17  }
0xa2: {  	[tilespmem:$0x8200] =	vst v17  }
0xa3: {  	[tilespmem:$0x8210] =	vst v17  }
0xa4: {  	[tilespmem:$0x8220] =	vst v17  }
0xa5: {  	[tilespmem:$0x8230] =	vst v17  }
0xa6: {  	[tilespmem:$0x8240] =	vst v17  }
0xa7: {  	[tilespmem:$0x8250] =	vst v17  }
0xa8: {  	[tilespmem:$0x8260] =	vst v17  }
0xa9: {  	[tilespmem:$0x8270] =	vst v17  }
0xaa: {  	[tilespmem:$0x8280] =	vst v17  }
0xab: {  	[tilespmem:$0x8290] =	vst v17  }
0xac: {  	[tilespmem:$0x82A0] =	vst v17  }
0xad: {  	v26 =	vsel vm0, $0x0, v10;
	[tilespmem:$0x82B0] =	vst v17  }
0xae: {  	v21 =	vsel vm1, v21, v25;
	v13 =	vbroadcast v13, $0xF;
	v15 =	vadd.s32 v15, v23;
	[tilespmem:$0x82C0] =	vst v17  }
0xaf: {  	v22 =	vsel vm1, v22, v24;
	[tilespmem:$0x82D0] =	vst v17;
	v5 =	vadd.s32 v15, v5;
	v8 =	vadd.s32 v15, v8  }
0xb0: {  	[tilespmem:$0x82E0] =	vst v17;
	vm1 =	vle.s32 v5, v2;
	v38 =	vadd.s32 v8, v19;
	v8 =	vadd.s32 v8, v13  }
0xb1: {  	[tilespmem:$0x82F0] =	vst v17;
	v39 =	vmpcnt.ones.xlane vm1;
	vm1 =	vle.s32 v38, v2;
	v40 =	vadd.s32 v8, v20  }
0xb2: {  	v37 =	vbroadcast v18, $0xF;
	[tilespmem:$0x8300] =	vst v17;
	v41 =	vmpcnt.ones.xlane vm1;
	vm1 =	vle.s32 v40, v2  }
0xb3: {  	v6 =	vsub.s32 v11, v6;
	v4 =	vsub.s32 v10, v4;
	[tilespmem:$0x8310] =	vst v17;
	v43 =	vmpcnt.ones.xlane vm1  }
0xb4: {  	v12 =	vbroadcast v12, $0xF;
	[tilespmem:$0x8320] =	vst v17;
	v8 =	vadd.s32 v8, v37;
	v42 =	vadd.s32 $0xFFFFFFFF, v39  }
0xb5: {  	[tilespmem:$0x8330] =	vst v17;
	v3 =	vsub.s32 v8, v3;
	vm1 =	veq.s32 v42, v0;
	v45 =	vadd.s32 $0xFFFFFFFF, v43  }
0xb6: {  	v27, _, _ =	vpop (xrf0);
	[tilespmem:$0x8340] =	vst v17;
	v3 =	vadd.s32 v9, v3;
	v5 =	vnsel vm1, $0x0, v5;
	vm1 =	veq.s32 v45, v0  }
0xb7: {  	v36 =	vbroadcast v27, $0xF;
	[tilespmem:$0x8350] =	vst v17;
	v19 =	vnsel vm1, $0x0, v40;
	vm1 =	vle.s32 v3, v2  }
0xb8: {  	s3 =	sadd.s32 $0x40, s3;
	(xrf0) =	vadd.scan.msk.s32 $0xffff, v26;
	[tilespmem:$0x8360] =	vst v17;
	v44 =	vadd.s32 $0xFFFFFFFF, v41;
	v48 =	vmpcnt.ones.xlane vm1  }
0xb9: {  	v7 =	vadd.s32 s3, v7;
	[tilespmem:$0x8370] =	vst v17;
	vm2 =	veq.s32 v44, v0;
	(xrf0) =	vadd.scan.msk.s32 $0xffff, v5;
	v5, _, _ =	vpop (xrf0)  }
0xba: {  	[tilespmem:$0x8380] =	vst v17;
	v8 =	vadd.s32 v8, v12;
	v18 =	vnsel vm2, $0x0, v38;
	v47, _, _ =	vpop (xrf0);
	v50 =	vadd.s32 $0xFFFFFFFF, v48  }
0xbb: {  	(xrf0) =	vadd.scan.msk.s32 $0xffff, v18;
	vm1 =	vgt.s32 v16, $0x0;
	v49 =	vbroadcast v47, $0xF;
	vm2 =	veq.s32 v50, v0  }
0xbc: {  	(xrf0) =	vadd.scan.msk.s32 $0xffff, v19;
	v7 =	vsel vm1, v7, v21;
	v5 =	vbroadcast v5, $0xF;
	v3 =	vnsel vm2, $0x0, v3  }
0xbd: {  	v11 =	vsel vm1, v49, v22;
	(xrf0) =	vadd.scan.msk.s32 $0xffff, v3;
	v3 =	vadd.s32 v8, v14;
	v8 =	vadd.s32 v8, v36  }
0xbe: {  	[tilespmem:$0x8390] =	vst v17;
	vm1 =	vle.s32 v3, v2;
	v6 =	vadd.s32 v8, v6;
	v5 =	vadd.s32 v8, v5  }
0xbf: {  	s4 =	sadd.s32 $0x10, s3;
	[tilespmem:$0x83A0] =	vst v17;
	v52 =	vmpcnt.ones.xlane vm1;
	vm1 =	vle.s32 v6, v2;
	v4 =	vadd.s32 v5, v4  }
0xc0: {  	[tilespmem:$0x83B0] =	vst v17;
	v15 =	vadd.s32 s4, v42;
	v5 =	vmpcnt.ones.xlane vm1;
	vm1 =	vle.s32 v4, v2  }
0xc1: {  	s28 =	sadd.s32 $0x20, s3;
	[tilespmem:$0x83C0] =	vst v17;
	vm3 =	vgt.s32 v41, $0x0;
	v53 =	vadd.s32 $0xFFFFFFFF, v52;
	v54 =	vmpcnt.ones.xlane vm1  }
0xc2: {  	[tilespmem:$0x83D0] =	vst v17;
	v46 =	vadd.s32 s28, v44;
	v51, _, _ =	vpop (xrf0);
	vm1 =	veq.s32 v53, v0;
	v55 =	vadd.s32 $0xFFFFFFFF, v5  }
0xc3: {  	[tilespmem:$0x83E0] =	vst v17;
	v16, _, _ =	vpop (xrf0);
	v3 =	vnsel vm1, $0x0, v3;
	vm1 =	veq.s32 v55, v0;
	v56 =	vadd.s32 $0xFFFFFFFF, v54  }
0xc4: {  	v16 =	vbroadcast v16, $0xF;
	v2, _, _ =	vpop (xrf0);
	v6 =	vnsel vm1, $0x0, v6;
	vm1 =	veq.s32 v56, v0;
	(xrf0) =	vadd.scan.msk.s32 $0xffff, v3  }
0xc5: {  	s29 =	sadd.s32 $0x30, s3;
	s3 =	sadd.s32 $0x40, s3;
	vm2 =	vgt.s32 v39, $0x0;
	v2 =	vbroadcast v2, $0xF;
	v0, _, _ =	vpop (xrf0);
	v4 =	vnsel vm1, $0x0, v4;
	(xrf0) =	vadd.scan.msk.s32 $0xffff, v6  }
0xc6: {  	s5 =	sadd.s32 $0x20, s3;
	v26 =	vadd.s32 s29, v45;
	v60 =	vadd.s32 s3, v50;
	v57 =	vsel vm2, v16, v11;
	(xrf0) =	vadd.scan.msk.s32 $0xffff, v4  }
0xc7: {  	[tilespmem:$0x83F0] =	vst v17;
	s31 =	sadd.s32 $0x30, s3;
	v2 =	vsel vm3, v2, v57;
	v58 =	vadd.s32 s5, v55;
	v3 =	vsel vm2, v15, v7  }
0xc8: {  	[tilespmem:$0x8400] =	vst v17;
	v59 =	vadd.s32 s31, v56;
	vm2 =	vgt.s32 v5, $0x0;
	v0 =	vbroadcast v0, $0xF;
	v4, _, _ =	vpop (xrf0)  }
0xc9: {  	[tilespmem:$0x8410] =	vst v17;
	vm1 =	vgt.s32 v43, $0x0;
	v3 =	vsel vm3, v46, v3;
	v4 =	vbroadcast v4, $0xF  }
0xca: {  	[tilespmem:$0x8420] =	vst v17;
	s30 =	sadd.s32 $0x10, s3;
	v3 =	vsel vm1, v26, v3;
	v0 =	vsel vm1, v0, v2;
	vm1 =	vgt.s32 v48, $0x0;
	v61, _, _ =	vpop (xrf0)  }
0xcb: {  	[tilespmem:$0x8430] =	vst v17;
	v2 =	vadd.s32 s30, v53;
	v0 =	vsel vm1, v4, v0;
	v4 =	vbroadcast v61, $0xF;
	v62, _, _ =	vpop (xrf0)  }
0xcc: {  	[tilespmem:$0x8440] =	vst v17;
	v3 =	vsel vm1, v60, v3;
	vm1 =	vgt.s32 v52, $0x0;
	v5 =	vbroadcast v62, $0xF;
	v63, _, _ =	vpop (xrf0)  }
0xcd: {  	[tilespmem:$0x8450] =	vst v17;
	v2 =	vsel vm1, v2, v3;
	v0 =	vsel vm1, v4, v0;
	v3 =	vbroadcast v63, $0xF  }
0xce: {  	[tilespmem:$0x8460] =	vst v17;
	vm1 =	vgt.s32 v54, $0x0;
	v2 =	vsel vm2, v58, v2;
	v4 =	vsel vm2, v5, v0  }
0xcf: {  	[tilespmem:$0x8470] =	vst v17;
	s4 =	simm.s32 $0x40;
	s3 =	simm.s32 $0xFFFFFFF8;
	s5 =	simm.s32 $0x8080;
	v0 =	vsel vm1, v59, v2;
	v2 =	vsel vm1, v3, v4;
	v3 =	vimm.s32 $0x1  }
.LBB2_8:
0xd0: {  	v4 =	vld [tilespmem:s4+$0xFFFFFFC0];
	_ =	sdelay $0x4  }
0xd1: {  	v5 =	vshrl.u32 v4, $0x14  }
0xd2: {  	v4 =	vshrl.u32 v4, $0xA;
	vm1 =	veq.s32 v5, v0  }
0xd3: {  	v4 =	vand.u32 $0x3FF, v4;
	_ =	sdelay $0x4  }
0xd4: {  	[tilespmem:v4+s5+$0x0] =	vst.idx.add.s32.msk vm1, v3  }
0xd5: {  	v4 =	vld [tilespmem:s4+$0xFFFFFFD0];
	_ =	sdelay $0x4  }
0xd6: {  	v5 =	vshrl.u32 v4, $0x14  }
0xd7: {  	v4 =	vshrl.u32 v4, $0xA;
	vm1 =	veq.s32 v5, v0  }
0xd8: {  	v4 =	vand.u32 $0x3FF, v4;
	_ =	sdelay $0x4  }
0xd9: {  	[tilespmem:v4+s5+$0x0] =	vst.idx.add.s32.msk vm1, v3  }
0xda: {  	v4 =	vld [tilespmem:s4+$0xFFFFFFE0];
	_ =	sdelay $0x4  }
0xdb: {  	v5 =	vshrl.u32 v4, $0x14  }
0xdc: {  	v4 =	vshrl.u32 v4, $0xA;
	vm1 =	veq.s32 v5, v0  }
0xdd: {  	v4 =	vand.u32 $0x3FF, v4;
	_ =	sdelay $0x4  }
0xde: {  	[tilespmem:v4+s5+$0x0] =	vst.idx.add.s32.msk vm1, v3  }
0xdf: {  	v4 =	vld [tilespmem:s4+$0xFFFFFFF0];
	_ =	sdelay $0x4  }
0xe0: {  	v5 =	vshrl.u32 v4, $0x14  }
0xe1: {  	v4 =	vshrl.u32 v4, $0xA;
	vm1 =	veq.s32 v5, v0  }
0xe2: {  	v4 =	vand.u32 $0x3FF, v4;
	_ =	sdelay $0x4  }
0xe3: {  	[tilespmem:v4+s5+$0x0] =	vst.idx.add.s32.msk vm1, v3  }
0xe4: {  	v4 =	vld [tilespmem:s4+$0x0];
	_ =	sdelay $0x4  }
0xe5: {  	v5 =	vshrl.u32 v4, $0x14  }
0xe6: {  	v4 =	vshrl.u32 v4, $0xA;
	vm1 =	veq.s32 v5, v0  }
0xe7: {  	v4 =	vand.u32 $0x3FF, v4;
	_ =	sdelay $0x4  }
0xe8: {  	[tilespmem:v4+s5+$0x0] =	vst.idx.add.s32.msk vm1, v3  }
0xe9: {  	v4 =	vld [tilespmem:s4+$0x10];
	_ =	sdelay $0x4  }
0xea: {  	v5 =	vshrl.u32 v4, $0x14  }
0xeb: {  	v4 =	vshrl.u32 v4, $0xA;
	vm1 =	veq.s32 v5, v0  }
0xec: {  	v4 =	vand.u32 $0x3FF, v4;
	_ =	sdelay $0x4  }
0xed: {  	[tilespmem:v4+s5+$0x0] =	vst.idx.add.s32.msk vm1, v3  }
0xee: {  	v4 =	vld [tilespmem:s4+$0x20];
	_ =	sdelay $0x4  }
0xef: {  	v5 =	vshrl.u32 v4, $0x14  }
0xf0: {  	v4 =	vshrl.u32 v4, $0xA;
	vm1 =	veq.s32 v5, v0  }
0xf1: {  	v4 =	vand.u32 $0x3FF, v4;
	_ =	sdelay $0x4  }
0xf2: {  	[tilespmem:v4+s5+$0x0] =	vst.idx.add.s32.msk vm1, v3  }
0xf3: {  	v4 =	vld [tilespmem:s4+$0x30];
	_ =	sdelay $0x4  }
0xf4: {  	v5 =	vshrl.u32 v4, $0x14  }
0xf5: {  	s3 =	sadd.s32 $0x8, s3;
	v4 =	vshrl.u32 v4, $0xA;
	vm1 =	veq.s32 v5, v0  }
0xf6: {  	p0 =	slt.u32 s3, $0x7F8;
	v4 =	vand.u32 $0x3FF, v4  }
.Ltmp4:
0xf7: {  	_ = 	snop;
	(pc) =	sbr.rel @p0 .LBB2_8-.Ltmp4, $2  }
0xf8: {  	_ =	sdelay $0x2  }
0xf9: {  	s4 =	sadd.s32 $0x80, s4;
	[tilespmem:v4+s5+$0x0] =	vst.idx.add.s32.msk vm1, v3  }
0xfa: {  	s3 =	simm.s32 $0x80A0  }
0xfb: {  	v3 =	vld [tilespmem:s3+$0xFFFFFFE0]  }
0xfc: {  	v4 =	vld [tilespmem:s3+$0xFFFFFFF0];
	_ =	sdelay $0x2  }
0xfd: {  	v5 =	vld [tilespmem:s3+$0x0]  }
0xfe: {  	v6 =	vld [tilespmem:s3+$0x10];
	(xrf0) =	vadd.scan.msk.s32 $0xffff, v3  }
0xff: {  	(xrf0) =	vadd.scan.msk.s32 $0xffff, v4;
	_ =	sdelay $0x2  }
0x100: {  	(xrf0) =	vadd.scan.msk.s32 $0xffff, v5  }
0x101: {  	(xrf0) =	vadd.scan.msk.s32 $0xffff, v6  }
0x102: {  	v7, _, _ =	vpop (xrf0)  }
0x103: {  	v8 =	vsel vm0, $0x0, v7;
	v9, _, _ =	vpop (xrf0)  }
0x104: {  	s26 =	simm.s32 $0x80E0;
	v11 =	vsel vm0, $0x0, v9  }
0x105: {  	v10 =	vld [tilespmem:s26+$0xFFFFFFE0]  }
0x106: {  	v12 =	vld [tilespmem:s26+$0xFFFFFFF0];
	(xrf0) =	vadd.scan.msk.s32 $0xffff, v8;
	v8, _, _ =	vpop (xrf0)  }
0x107: {  	(xrf0) =	vadd.scan.msk.s32 $0xffff, v11;
	v13 =	vsel vm0, $0x0, v8;
	v11, _, _ =	vpop (xrf0)  }
0x108: {  	(xrf0) =	vadd.scan.msk.s32 $0xffff, v13;
	v13 =	vsel vm0, $0x0, v11  }
0x109: {  	(xrf0) =	vadd.scan.msk.s32 $0xffff, v13  }
0x10a: {  	(xrf0) =	vadd.scan.msk.s32 $0xffff, v10  }
0x10b: {  	v13 =	vld [tilespmem:s26+$0x0];
	(xrf0) =	vadd.scan.msk.s32 $0xffff, v12  }
0x10c: {  	v15 =	vld [tilespmem:s26+$0x10];
	v14, _, _ =	vpop (xrf0)  }
0x10d: {  	v16, _, _ =	vpop (xrf0)  }
0x10e: {  	v17, _, _ =	vpop (xrf0)  }
0x10f: {  	v18, _, _ =	vpop (xrf0)  }
0x110: {  	v1 =	vadd.s32 v2, v1;
	v23 =	vimm.s32 $0x0;
	(xrf0) =	vadd.scan.msk.s32 $0xffff, v13;
	v20, _, _ =	vpop (xrf0)  }
0x111: {  	v1 =	vadd.s32 $0xFFFF8000, v1;
	v21 =	vsub.s32 v23, v3;
	(xrf0) =	vadd.scan.msk.s32 $0xffff, v15;
	v2 =	vsel vm0, $0x0, v20;
	v19, _, _ =	vpop (xrf0)  }
0x112: {  	v3 =	vsub.s32 $0x0, v1;
	v7 =	vadd.s32 v7, v21;
	v22 =	vsel vm0, $0x0, v19;
	(xrf0) =	vadd.scan.msk.s32 $0xffff, v2  }
0x113: {  	vm1 =	vle.s32 v7, v3;
	v11 =	vsub.s32 v11, v6;
	v6 =	vbroadcast v14, $0xF;
	(xrf0) =	vadd.scan.msk.s32 $0xffff, v22  }
0x114: {  	v24 =	vmpcnt.ones.xlane vm1;
	v16 =	vbroadcast v16, $0xF  }
0x115: {  	v21 =	vsub.s32 v9, v4;
	v8 =	vsub.s32 v8, v5;
	v6 =	vadd.s32 v23, v6  }
0x116: {  	v27 =	vadd.s32 $0xFFFFFFFF, v24;
	v16 =	vadd.s32 v6, v16;
	v17 =	vbroadcast v17, $0xF;
	v25, _, _ =	vpop (xrf0)  }
0x117: {  	s28 =	simm.s32 $0x8120;
	v8 =	vadd.s32 v16, v8;
	v18 =	vbroadcast v18, $0xF;
	v2 =	vlaneseq.u32;
	v26, _, _ =	vpop (xrf0)  }
0x118: {  	v4 =	vld [tilespmem:s28+$0xFFFFFFE0];
	v5 =	vsub.s32 v19, v12;
	vm1 =	veq.s32 v27, v2;
	v12 =	vsel vm0, $0x0, v25;
	v28, _, _ =	vpop (xrf0)  }
0x119: {  	v29 =	vld [tilespmem:s28+$0xFFFFFFF0];
	v14 =	vnsel vm1, $0x0, v7;
	v19 =	vsel vm0, $0x0, v26;
	(xrf0) =	vadd.scan.msk.s32 $0xffff, v12;
	v12 =	vadd.s32 v6, v21;
	v7, _, _ =	vpop (xrf0)  }
0x11a: {  	(xrf0) =	vadd.scan.msk.s32 $0xffff, v14;
	vm1 =	vle.s32 v12, v3;
	v14 =	vadd.s32 v16, v17;
	v9 =	vbroadcast v7, $0xF;
	v7 =	vld [tilespmem:s28+$0x0]  }
0x11b: {  	v6 =	vld [tilespmem:s28+$0x10];
	v30 =	vmpcnt.ones.xlane vm1;
	vm1 =	vle.s32 v8, v3;
	v11 =	vadd.s32 v14, v11  }
0x11c: {  	(xrf0) =	vadd.scan.msk.s32 $0xffff, v19;
	v31 =	vmpcnt.ones.xlane vm1;
	vm1 =	vle.s32 v11, v3  }
0x11d: {  	v16 =	vadd.s32 v14, v18;
	(xrf0) =	vadd.scan.msk.s32 $0xffff, v4;
	v14 =	vadd.s32 $0xFFFFFFFF, v30;
	v18 =	vmpcnt.ones.xlane vm1  }
0x11e: {  	v10 =	vsub.s32 v16, v10;
	(xrf0) =	vadd.scan.msk.s32 $0xffff, v29;
	vm1 =	veq.s32 v14, v2;
	v17 =	vadd.s32 $0xFFFFFFFF, v31  }
0x11f: {  	s29 =	simm.s32 $0x10;
	v12 =	vnsel vm1, $0x0, v12;
	vm1 =	veq.s32 v17, v2;
	v21 =	vadd.s32 $0xFFFFFFFF, v18;
	(xrf0) =	vadd.scan.msk.s32 $0xffff, v7  }
0x120: {  	v32 =	vadd.s32 s29, v14;
	v14, _, _ =	vpop (xrf0);
	v8 =	vnsel vm1, $0x0, v8;
	vm1 =	veq.s32 v21, v2;
	(xrf0) =	vadd.scan.msk.s32 $0xffff, v6  }
0x121: {  	v33, _, _ =	vpop (xrf0);
	v11 =	vnsel vm1, $0x0, v11;
	(xrf0) =	vadd.scan.msk.s32 $0xffff, v12  }
0x122: {  	s30 =	simm.s32 $0x20;
	s31 =	simm.s32 $0x30;
	v35 =	vadd.s32 v20, v10;
	v20 =	vsub.s32 v25, v13;
	v19, _, _ =	vpop (xrf0);
	(xrf0) =	vadd.scan.msk.s32 $0xffff, v8  }
0x123: {  	s3 =	simm.s32 $0x0;
	v34 =	vadd.s32 s30, v17;
	v22 =	vadd.s32 s31, v21;
	vm1 =	vle.s32 v35, v3;
	v10, _, _ =	vpop (xrf0)  }
0x124: {  	v21 =	vsub.s32 v26, v15;
	v26 =	vadd.s32 s3, v27;
	v17 =	vmpcnt.ones.xlane vm1;
	(xrf0) =	vadd.scan.msk.s32 $0xffff, v11;
	v11, _, _ =	vpop (xrf0)  }
0x125: {  	v13 =	vbroadcast v33, $0xF;
	vm1 =	vgt.s32 v24, $0x0;
	v8 =	vsel vm0, $0x0, v10;
	v12, _, _ =	vpop (xrf0)  }
0x126: {  	v15 =	vsub.s32 v11, v29;
	v25 =	vsel vm0, $0x0, v11;
	(xrf0) =	vadd.scan.msk.s32 $0xffff, v8;
	v8 =	vadd.s32 $0xFFFFFFFF, v17;
	v11, _, _ =	vpop (xrf0)  }
0x127: {  	v26 =	vsel vm1, v26, v23;
	v13 =	vsel vm1, v13, v23;
	vm1 =	veq.s32 v8, v2;
	v23, _, _ =	vpop (xrf0)  }
0x128: {  	v24 =	vsel vm0, $0x0, v12;
	v27 =	vnsel vm1, $0x0, v35;
	vm1 =	vgt.s32 v18, $0x0;
	v18, _, _ =	vpop (xrf0);
	(xrf0) =	vadd.scan.msk.s32 $0xffff, v25  }
0x129: {  	(xrf0) =	vadd.scan.msk.s32 $0xffff, v24  }
0x12a: {  	v23 =	vbroadcast v23, $0xF  }
0x12b: {  	vm2 =	vgt.s32 v30, $0x0;
	vm3 =	vgt.s32 v31, $0x0;
	v18 =	vbroadcast v18, $0xF;
	v25, _, _ =	vpop (xrf0);
	(xrf0) =	vadd.scan.msk.s32 $0xffff, v27  }
0x12c: {  	v26 =	vsel vm2, v32, v26;
	v63 =	vsel vm2, v23, v13;
	v24 =	vbroadcast v25, $0xF  }
0x12d: {  	s4 =	simm.s32 $0x8;
	s5 =	simm.s32 $0x8160;
	v13, _, _ =	vpop (xrf0);
	v23 =	vbroadcast v28, $0xF;
	v25 =	vsel vm3, v34, v26;
	v26 =	vsel vm3, v18, v63  }
.LBB2_10:
0x12e: {  	v18 =	vld [tilespmem:s5+$0xFFFFFFE0];
	s4 =	sadd.s32 $0x4, s4;
	v27 =	vsel vm0, $0x0, v11;
	v28, _, _ =	vpop (xrf0);
	v25 =	vsel vm1, v22, v25;
	v24 =	vsel vm1, v24, v26;
	s3 =	sadd.s32 $0x40, s3  }
0x12f: {  	v31 =	vbroadcast v14, $0xF;
	v26 =	vld [tilespmem:s5+$0xFFFFFFF0];
	p0 =	slt.u32 s4, $0x3C;
	v22 =	vbroadcast v28, $0xF;
	(xrf0) =	vadd.scan.msk.s32 $0xffff, v27;
	v16 =	vadd.s32 v16, v23;
	v14, _, _ =	vpop (xrf0)  }
0x130: {  	v29 =	vmovc v17;
	v27 =	vld [tilespmem:s5+$0x0];
	v28 =	vadd.s32 v16, v5;
	v32 =	vadd.s32 v16, v9;
	v16 =	vbroadcast v19, $0xF;
	v5 =	vmovc v15  }
0x131: {  	v30 =	vld [tilespmem:s5+$0x10];
	vm1 =	vle.s32 v28, v3;
	v15 =	vadd.s32 v32, v20;
	v17 =	vadd.s32 v32, v31;
	v23, _, _ =	vpop (xrf0)  }
0x132: {  	v9 =	vmovc v22;
	v31 =	vmpcnt.ones.xlane vm1;
	vm1 =	vle.s32 v15, v3;
	v20 =	vadd.s32 v17, v21  }
0x133: {  	v16 =	vadd.s32 v17, v16;
	(xrf0) =	vadd.scan.msk.s32 $0xffff, v18;
	v32 =	vmpcnt.ones.xlane vm1;
	vm1 =	vle.s32 v20, v3  }
0x134: {  	s6 =	sadd.s32 $0x10, s3;
	v17 =	vsub.s32 v16, v4;
	v4 =	vmovc v18;
	(xrf0) =	vadd.scan.msk.s32 $0xffff, v26;
	v21 =	vadd.s32 $0xFFFFFFFF, v31;
	v33 =	vmpcnt.ones.xlane vm1  }
0x135: {  	(xrf0) =	vadd.scan.msk.s32 $0xffff, v27;
	v19, _, _ =	vpop (xrf0);
	vm1 =	veq.s32 v21, v2;
	v18 =	vadd.s32 s6, v21;
	v21 =	vadd.s32 $0xFFFFFFFF, v32  }
0x136: {  	s6 =	sadd.s32 $0x20, s3;
	(xrf0) =	vadd.scan.msk.s32 $0xffff, v30;
	v22 =	vnsel vm1, $0x0, v28;
	vm1 =	veq.s32 v21, v2;
	v28 =	vadd.s32 $0xFFFFFFFF, v33  }
0x137: {  	v34 =	vadd.s32 s6, v21;
	s6 =	sadd.s32 $0x30, s3;
	v15 =	vnsel vm1, $0x0, v15;
	vm1 =	veq.s32 v28, v2;
	(xrf0) =	vadd.scan.msk.s32 $0xffff, v22  }
0x138: {  	v35 =	vadd.s32 v10, v17;
	v22 =	vadd.s32 s6, v28;
	v17 =	vnsel vm1, $0x0, v20;
	(xrf0) =	vadd.scan.msk.s32 $0xffff, v15  }
0x139: {  	vm1 =	vle.s32 v35, v3;
	v20 =	vsub.s32 v12, v7;
	v7 =	vbroadcast v23, $0xF;
	v10, _, _ =	vpop (xrf0);
	(xrf0) =	vadd.scan.msk.s32 $0xffff, v17  }
0x13a: {  	v21 =	vsub.s32 v11, v6;
	v17 =	vmpcnt.ones.xlane vm1;
	v28 =	vsel vm0, $0x0, v10;
	v23, _, _ =	vpop (xrf0)  }
0x13b: {  	vm1 =	vgt.s32 v29, $0x0;
	v15 =	vsub.s32 v23, v26;
	v6 =	vsel vm0, $0x0, v23;
	(xrf0) =	vadd.scan.msk.s32 $0xffff, v28;
	v12, _, _ =	vpop (xrf0)  }
0x13c: {  	v26 =	vsel vm0, $0x0, v12;
	(xrf0) =	vadd.scan.msk.s32 $0xffff, v6;
	v11, _, _ =	vpop (xrf0);
	v6 =	vadd.s32 s3, v8;
	v8 =	vadd.s32 $0xFFFFFFFF, v17  }
.Ltmp5:
0x13d: {  	v7 =	vsel vm1, v7, v24;
	(xrf0) =	vadd.scan.msk.s32 $0xffff, v26;
	vm2 =	veq.s32 v8, v2;
	v6 =	vsel vm1, v6, v25;
	v23, _, _ =	vpop (xrf0);
	(pc) =	sbr.rel @p0 .LBB2_10-.Ltmp5, $4  }
0x13e: {  	vm1 =	vgt.s32 v33, $0x0;
	v28 =	vnsel vm2, $0x0, v35;
	v23 =	vbroadcast v23, $0xF;
	v25, _, _ =	vpop (xrf0)  }
0x13f: {  	vm3 =	vgt.s32 v32, $0x0;
	vm2 =	vgt.s32 v31, $0x0;
	(xrf0) =	vadd.scan.msk.s32 $0xffff, v28;
	v26 =	vbroadcast v25, $0xF;
	v24, _, _ =	vpop (xrf0)  }
0x140: {  	v18 =	vsel vm2, v18, v6;
	v28 =	vsel vm2, v23, v7;
	v24 =	vbroadcast v24, $0xF;
	v7 =	vmovc v27;
	v6 =	vmovc v30  }
0x141: {  	s5 =	sadd.s32 $0x40, s5;
	v23 =	vbroadcast v13, $0xF;
	v25 =	vsel vm3, v34, v18;
	v13, _, _ =	vpop (xrf0);
	v26 =	vsel vm3, v26, v28  }
0x142: {  	v18 =	vimm.s32 $0x0  }
0x143: {  	[tilespmem:$0x8080] =	vst v18  }
0x144: {  	[tilespmem:$0x8090] =	vst v18  }
0x145: {  	[tilespmem:$0x80A0] =	vst v18  }
0x146: {  	[tilespmem:$0x80B0] =	vst v18  }
0x147: {  	[tilespmem:$0x80C0] =	vst v18  }
0x148: {  	[tilespmem:$0x80D0] =	vst v18  }
0x149: {  	[tilespmem:$0x80E0] =	vst v18  }
0x14a: {  	[tilespmem:$0x80F0] =	vst v18  }
0x14b: {  	[tilespmem:$0x8100] =	vst v18  }
0x14c: {  	[tilespmem:$0x8110] =	vst v18  }
0x14d: {  	[tilespmem:$0x8120] =	vst v18  }
0x14e: {  	[tilespmem:$0x8130] =	vst v18  }
0x14f: {  	[tilespmem:$0x8140] =	vst v18  }
0x150: {  	[tilespmem:$0x8150] =	vst v18  }
0x151: {  	[tilespmem:$0x8160] =	vst v18  }
0x152: {  	[tilespmem:$0x8170] =	vst v18  }
0x153: {  	[tilespmem:$0x8180] =	vst v18  }
0x154: {  	[tilespmem:$0x8190] =	vst v18  }
0x155: {  	[tilespmem:$0x81A0] =	vst v18  }
0x156: {  	[tilespmem:$0x81B0] =	vst v18  }
0x157: {  	[tilespmem:$0x81C0] =	vst v18  }
0x158: {  	[tilespmem:$0x81D0] =	vst v18  }
0x159: {  	[tilespmem:$0x81E0] =	vst v18  }
0x15a: {  	[tilespmem:$0x81F0] =	vst v18  }
0x15b: {  	[tilespmem:$0x8200] =	vst v18  }
0x15c: {  	[tilespmem:$0x8210] =	vst v18  }
0x15d: {  	[tilespmem:$0x8220] =	vst v18  }
0x15e: {  	[tilespmem:$0x8230] =	vst v18  }
0x15f: {  	v27 =	vsel vm0, $0x0, v11;
	[tilespmem:$0x8240] =	vst v18  }
0x160: {  	v22 =	vsel vm1, v22, v25;
	v24 =	vsel vm1, v24, v26;
	v14 =	vbroadcast v14, $0xF;
	[tilespmem:$0x8250] =	vst v18  }
0x161: {  	v38 =	vbroadcast v19, $0xF;
	v7 =	vsub.s32 v12, v7;
	v16 =	vadd.s32 v16, v23;
	[tilespmem:$0x8260] =	vst v18  }
0x162: {  	v51 =	vbroadcast v13, $0xF;
	[tilespmem:$0x8270] =	vst v18;
	v5 =	vadd.s32 v16, v5;
	v9 =	vadd.s32 v16, v9  }
0x163: {  	[tilespmem:$0x8280] =	vst v18;
	vm1 =	vle.s32 v5, v3;
	v39 =	vadd.s32 v9, v20;
	v9 =	vadd.s32 v9, v14  }
0x164: {  	[tilespmem:$0x8290] =	vst v18;
	v40 =	vmpcnt.ones.xlane vm1;
	vm1 =	vle.s32 v39, v3;
	v41 =	vadd.s32 v9, v21  }
0x165: {  	v28, _, _ =	vpop (xrf0);
	(xrf0) =	vadd.scan.msk.s32 $0xffff, v27;
	[tilespmem:$0x82A0] =	vst v18;
	v42 =	vmpcnt.ones.xlane vm1;
	vm1 =	vle.s32 v41, v3  }
0x166: {  	[tilespmem:$0x82B0] =	vst v18;
	v9 =	vadd.s32 v9, v38;
	v43 =	vadd.s32 $0xFFFFFFFF, v40;
	v44 =	vmpcnt.ones.xlane vm1  }
0x167: {  	[tilespmem:$0x82C0] =	vst v18;
	v4 =	vsub.s32 v9, v4;
	vm1 =	veq.s32 v43, v2;
	v45 =	vadd.s32 $0xFFFFFFFF, v42  }
0x168: {  	[tilespmem:$0x82D0] =	vst v18;
	v5 =	vnsel vm1, $0x0, v5;
	vm1 =	veq.s32 v45, v2;
	v46 =	vadd.s32 $0xFFFFFFFF, v44  }
0x169: {  	[tilespmem:$0x82E0] =	vst v18;
	v4 =	vadd.s32 v10, v4;
	v19 =	vnsel vm1, $0x0, v39;
	vm1 =	veq.s32 v46, v2  }
0x16a: {  	s3 =	sadd.s32 $0x40, s3;
	[tilespmem:$0x82F0] =	vst v18;
	(xrf0) =	vadd.scan.msk.s32 $0xffff, v5;
	v5 =	vnsel vm1, $0x0, v41;
	vm1 =	vle.s32 v4, v3  }
0x16b: {  	v37 =	vbroadcast v28, $0xF;
	v47, _, _ =	vpop (xrf0);
	[tilespmem:$0x8300] =	vst v18;
	v8 =	vadd.s32 s3, v8;
	v50 =	vmpcnt.ones.xlane vm1  }
0x16c: {  	[tilespmem:$0x8310] =	vst v18;
	v53 =	vbroadcast v47, $0xF;
	v48, _, _ =	vpop (xrf0);
	v9 =	vadd.s32 v9, v51;
	(xrf0) =	vadd.scan.msk.s32 $0xffff, v19  }
0x16d: {  	s4 =	sadd.s32 $0x10, s3;
	v10 =	vbroadcast v48, $0xF;
	(xrf0) =	vadd.scan.msk.s32 $0xffff, v5;
	v5 =	vsub.s32 v11, v6;
	v6 =	vadd.s32 $0xFFFFFFFF, v50  }
0x16e: {  	[tilespmem:$0x8320] =	vst v18;
	v54 =	vadd.s32 v9, v37;
	v16 =	vadd.s32 s4, v43;
	vm2 =	veq.s32 v6, v2  }
0x16f: {  	[tilespmem:$0x8330] =	vst v18;
	v55 =	vadd.s32 v54, v53;
	vm1 =	vgt.s32 v17, $0x0;
	v4 =	vnsel vm2, $0x0, v4  }
0x170: {  	v52, _, _ =	vpop (xrf0);
	v7 =	vadd.s32 v54, v7;
	v8 =	vsel vm1, v8, v22;
	(xrf0) =	vadd.scan.msk.s32 $0xffff, v4;
	v4 =	vadd.s32 v9, v15  }
0x171: {  	[tilespmem:$0x8340] =	vst v18;
	v10 =	vsel vm1, v10, v24;
	v5 =	vadd.s32 v55, v5;
	vm2 =	vle.s32 v4, v3  }
0x172: {  	[tilespmem:$0x8350] =	vst v18;
	vm3 =	vle.s32 v5, v3;
	v13, _, _ =	vpop (xrf0);
	v56 =	vmpcnt.ones.xlane vm2;
	vm2 =	vle.s32 v7, v3  }
0x173: {  	[tilespmem:$0x8360] =	vst v18;
	v13 =	vbroadcast v13, $0xF;
	v3 =	vmpcnt.ones.xlane vm2;
	vm2 =	vgt.s32 v40, $0x0  }
0x174: {  	[tilespmem:$0x8370] =	vst v18;
	v57 =	vmpcnt.ones.xlane vm3;
	v8 =	vsel vm2, v16, v8;
	v58 =	vadd.s32 $0xFFFFFFFF, v56  }
0x175: {  	[tilespmem:$0x8380] =	vst v18;
	v10 =	vsel vm2, v13, v10;
	vm2 =	veq.s32 v58, v2;
	v59 =	vadd.s32 $0xFFFFFFFF, v3  }
0x176: {  	[tilespmem:$0x8390] =	vst v18;
	v60 =	vadd.s32 $0xFFFFFFFF, v57;
	v4 =	vnsel vm2, $0x0, v4;
	vm2 =	veq.s32 v59, v2  }
0x177: {  	[tilespmem:$0x83A0] =	vst v18;
	v7 =	vnsel vm2, $0x0, v7;
	vm2 =	veq.s32 v60, v2  }
0x178: {  	[tilespmem:$0x83B0] =	vst v18;
	v5 =	vnsel vm2, $0x0, v5  }
0x179: {  	[tilespmem:$0x83C0] =	vst v18;
	v61, _, _ =	vpop (xrf0);
	(xrf0) =	vadd.scan.msk.s32 $0xffff, v4  }
0x17a: {  	s26 =	sadd.s32 $0x20, s3;
	s28 =	sadd.s32 $0x30, s3;
	[tilespmem:$0x83D0] =	vst v18;
	v4, _, _ =	vpop (xrf0);
	(xrf0) =	vadd.scan.msk.s32 $0xffff, v7  }
0x17b: {  	v26 =	vadd.s32 s26, v45;
	v49 =	vadd.s32 s28, v46;
	vm1 =	vgt.s32 v44, $0x0;
	(xrf0) =	vadd.scan.msk.s32 $0xffff, v5;
	v5, _, _ =	vpop (xrf0)  }
0x17c: {  	s3 =	sadd.s32 $0x40, s3;
	[tilespmem:$0x83E0] =	vst v18;
	vm3 =	vgt.s32 v42, $0x0;
	v2 =	vbroadcast v61, $0xF;
	v5 =	vbroadcast v5, $0xF  }
0x17d: {  	[tilespmem:$0x83F0] =	vst v18;
	s31 =	sadd.s32 $0x30, s3;
	v6 =	vadd.s32 s3, v6;
	v7 =	vsel vm3, v26, v8;
	v4 =	vbroadcast v4, $0xF  }
0x17e: {  	[tilespmem:$0x8400] =	vst v18;
	s30 =	sadd.s32 $0x20, s3;
	v63 =	vadd.s32 s31, v60;
	v2 =	vsel vm3, v2, v10;
	v7 =	vsel vm1, v49, v7  }
0x17f: {  	[tilespmem:$0x8410] =	vst v18;
	v62 =	vadd.s32 s30, v59;
	v2 =	vsel vm1, v4, v2;
	vm1 =	vgt.s32 v50, $0x0  }
0x180: {  	[tilespmem:$0x8420] =	vst v18;
	s29 =	sadd.s32 $0x10, s3;
	vm2 =	vgt.s32 v56, $0x0;
	vm3 =	vgt.s32 v3, $0x0;
	v2 =	vsel vm1, v5, v2;
	v5, _, _ =	vpop (xrf0)  }
0x181: {  	[tilespmem:$0x8430] =	vst v18;
	v4 =	vadd.s32 s29, v58;
	v6 =	vsel vm1, v6, v7;
	v5 =	vbroadcast v5, $0xF;
	v7, _, _ =	vpop (xrf0)  }
0x182: {  	[tilespmem:$0x8440] =	vst v18;
	vm1 =	vgt.s32 v57, $0x0;
	v4 =	vsel vm2, v4, v6;
	v3 =	vbroadcast v7, $0xF;
	v7, _, _ =	vpop (xrf0)  }
0x183: {  	[tilespmem:$0x8450] =	vst v18;
	v4 =	vsel vm3, v62, v4;
	v2 =	vsel vm2, v5, v2;
	v5 =	vbroadcast v7, $0xF  }
0x184: {  	[tilespmem:$0x8460] =	vst v18;
	v3 =	vsel vm3, v3, v2;
	v2 =	vsel vm1, v63, v4;
	v4 =	vshll.u32 v0, $0xA  }
0x185: {  	s5 =	simm.s32 $0x8080;
	[tilespmem:$0x8470] =	vst v18;
	s4 =	simm.s32 $0x40;
	s3 =	simm.s32 $0xFFFFFFF8;
	v3 =	vsel vm1, v5, v3;
	v4 =	vor.u32 v4, v2;
	v5 =	vimm.s32 $0x1  }
.LBB2_12:
0x186: {  	v6 =	vld [tilespmem:s4+$0xFFFFFFC0];
	_ =	sdelay $0x4  }
0x187: {  	v7 =	vshrl.u32 v6, $0xA  }
0x188: {  	vm1 =	veq.s32 v7, v4  }
0x189: {  	v6 =	vand.u32 $0x3FF, v6;
	_ =	sdelay $0x4  }
0x18a: {  	[tilespmem:v6+s5+$0x0] =	vst.idx.add.s32.msk vm1, v5  }
0x18b: {  	v6 =	vld [tilespmem:s4+$0xFFFFFFD0];
	_ =	sdelay $0x4  }
0x18c: {  	v7 =	vshrl.u32 v6, $0xA  }
0x18d: {  	vm1 =	veq.s32 v7, v4  }
0x18e: {  	v6 =	vand.u32 $0x3FF, v6;
	_ =	sdelay $0x4  }
0x18f: {  	[tilespmem:v6+s5+$0x0] =	vst.idx.add.s32.msk vm1, v5  }
0x190: {  	v6 =	vld [tilespmem:s4+$0xFFFFFFE0];
	_ =	sdelay $0x4  }
0x191: {  	v7 =	vshrl.u32 v6, $0xA  }
0x192: {  	vm1 =	veq.s32 v7, v4  }
0x193: {  	v6 =	vand.u32 $0x3FF, v6;
	_ =	sdelay $0x4  }
0x194: {  	[tilespmem:v6+s5+$0x0] =	vst.idx.add.s32.msk vm1, v5  }
0x195: {  	v6 =	vld [tilespmem:s4+$0xFFFFFFF0];
	_ =	sdelay $0x4  }
0x196: {  	v7 =	vshrl.u32 v6, $0xA  }
0x197: {  	vm1 =	veq.s32 v7, v4  }
0x198: {  	v6 =	vand.u32 $0x3FF, v6;
	_ =	sdelay $0x4  }
0x199: {  	[tilespmem:v6+s5+$0x0] =	vst.idx.add.s32.msk vm1, v5  }
0x19a: {  	v6 =	vld [tilespmem:s4+$0x0];
	_ =	sdelay $0x4  }
0x19b: {  	v7 =	vshrl.u32 v6, $0xA  }
0x19c: {  	vm1 =	veq.s32 v7, v4  }
0x19d: {  	v6 =	vand.u32 $0x3FF, v6;
	_ =	sdelay $0x4  }
0x19e: {  	[tilespmem:v6+s5+$0x0] =	vst.idx.add.s32.msk vm1, v5  }
0x19f: {  	v6 =	vld [tilespmem:s4+$0x10];
	_ =	sdelay $0x4  }
0x1a0: {  	v7 =	vshrl.u32 v6, $0xA  }
0x1a1: {  	vm1 =	veq.s32 v7, v4  }
0x1a2: {  	v6 =	vand.u32 $0x3FF, v6;
	_ =	sdelay $0x4  }
0x1a3: {  	[tilespmem:v6+s5+$0x0] =	vst.idx.add.s32.msk vm1, v5  }
0x1a4: {  	v6 =	vld [tilespmem:s4+$0x20];
	_ =	sdelay $0x4  }
0x1a5: {  	v7 =	vshrl.u32 v6, $0xA  }
0x1a6: {  	vm1 =	veq.s32 v7, v4  }
0x1a7: {  	v6 =	vand.u32 $0x3FF, v6;
	_ =	sdelay $0x4  }
0x1a8: {  	[tilespmem:v6+s5+$0x0] =	vst.idx.add.s32.msk vm1, v5  }
0x1a9: {  	v6 =	vld [tilespmem:s4+$0x30];
	_ =	sdelay $0x4  }
0x1aa: {  	v7 =	vshrl.u32 v6, $0xA  }
0x1ab: {  	s3 =	sadd.s32 $0x8, s3;
	vm1 =	veq.s32 v7, v4  }
0x1ac: {  	p0 =	slt.u32 s3, $0x7F8;
	v6 =	vand.u32 $0x3FF, v6  }
.Ltmp6:
0x1ad: {  	_ = 	snop;
	(pc) =	sbr.rel @p0 .LBB2_12-.Ltmp6, $2  }
0x1ae: {  	_ =	sdelay $0x2  }
0x1af: {  	s4 =	sadd.s32 $0x80, s4;
	[tilespmem:v6+s5+$0x0] =	vst.idx.add.s32.msk vm1, v5  }
0x1b0: {  	s3 =	simm.s32 $0x80A0  }
0x1b1: {  	v4 =	vld [tilespmem:s3+$0xFFFFFFE0]  }
0x1b2: {  	v5 =	vld [tilespmem:s3+$0xFFFFFFF0];
	_ =	sdelay $0x1  }
0x1b3: {  	v6 =	vld [tilespmem:s3+$0x0];
	_ =	sdelay $0x1  }
0x1b4: {  	v7 =	vld [tilespmem:s3+$0x10];
	(xrf0) =	vadd.scan.msk.s32 $0xffff, v4  }
0x1b5: {  	(xrf0) =	vadd.scan.msk.s32 $0xffff, v5;
	_ =	sdelay $0x1  }
0x1b6: {  	(xrf0) =	vadd.scan.msk.s32 $0xffff, v6;
	_ =	sdelay $0x1  }
0x1b7: {  	s4 =	simm.s32 $0x20;
	(xrf0) =	vadd.scan.msk.s32 $0xffff, v7  }
0x1b8: {  	v1 =	vadd.s32 v3, v1;
	v8 =	vimm.s32 $0x0;
	v12 =	vmov s4;
	v3, _, _ =	vpop (xrf0)  }
0x1b9: {  	s26 =	simm.s32 $0x0;
	v4 =	vsub.s32 v8, v4;
	v10 =	vsel vm0, $0x0, v3;
	v11, _, _ =	vpop (xrf0)  }
0x1ba: {  	v3 =	vadd.s32 v3, v4;
	v4 =	vmov s26;
	v14 =	vsel vm0, $0x0, v11;
	(xrf0) =	vadd.scan.msk.s32 $0xffff, v10  }
0x1bb: {  	v10 =	vadd.s32 $0xFFFFFFFF, v12;
	v12, _, _ =	vpop (xrf0);
	(xrf0) =	vadd.scan.msk.s32 $0xffff, v14  }
0x1bc: {  	s25 =	simm.s32 $0x10;
	v1 =	vsub.s32 $0x0, v1;
	v14 =	vsel vm0, $0x0, v12  }
0x1bd: {  	v9 =	vmov s25;
	vm1 =	vle.s32 v3, v1;
	v3 =	vadd.s32 $0xFFFFFFFF, v4;
	v4, _, _ =	vpop (xrf0);
	(xrf0) =	vadd.scan.msk.s32 $0xffff, v14  }
0x1be: {  	s5 =	simm.s32 $0x30;
	s30 =	simm.s32 $0x60;
	v5 =	vsub.s32 v11, v5;
	v11 =	vbroadcast v3, $0x0;
	v3 =	vsel vm0, $0x0, v4  }
0x1bf: {  	s28 =	simm.s32 $0x80E0;
	v13 =	vmov s5;
	v16 =	vmov s30;
	v9 =	vadd.s32 $0xFFFFFFFF, v9;
	(xrf0) =	vadd.scan.msk.s32 $0xffff, v3  }
0x1c0: {  	s6 =	simm.s32 $0x70;
	v6 =	vsub.s32 v12, v6;
	v12 =	vmpcnt.ones.xlane vm1;
	v3 =	vadd.s32 $0xFFFFFFFF, v13;
	v13 =	vld [tilespmem:s28+$0xFFFFFFE0];
	v17, _, _ =	vpop (xrf0)  }
0x1c1: {  	v15 =	vld [tilespmem:s28+$0xFFFFFFF0];
	v18 =	vmov s6;
	v9 =	vbroadcast v9, $0x0;
	v17 =	vbroadcast v17, $0xF;
	v19, _, _ =	vpop (xrf0)  }
0x1c2: {  	v20 =	vld [tilespmem:s28+$0x0];
	v10 =	vbroadcast v10, $0x0;
	v11 =	vadd.s32 v11, v12;
	v59 =	vbroadcast v19, $0xF  }
0x1c3: {  	v60 =	vld [tilespmem:s28+$0x10];
	vm1 =	vgt.s32 v12, $0x0;
	v14 =	vbroadcast v3, $0x0;
	v21, _, _ =	vpop (xrf0);
	v12 =	vadd.s32 v8, v17  }
0x1c4: {  	v61 =	vbroadcast v21, $0xF;
	v5 =	vadd.s32 v12, v5;
	v12 =	vadd.s32 v12, v59  }
0x1c5: {  	(xrf0) =	vadd.scan.msk.s32 $0xffff, v13;
	v8 =	vsel vm1, v11, v8;
	v62, _, _ =	vpop (xrf0);
	vm1 =	vle.s32 v5, v1;
	v5 =	vadd.s32 v12, v6  }
0x1c6: {  	s29 =	simm.s32 $0x50;
	(xrf0) =	vadd.scan.msk.s32 $0xffff, v15;
	v6 =	vmpcnt.ones.xlane vm1;
	vm1 =	vle.s32 v5, v1;
	v5 =	vbroadcast v62, $0xF  }
0x1c7: {  	v3 =	vmov s29;
	v11 =	vadd.s32 v12, v61;
	(xrf0) =	vadd.scan.msk.s32 $0xffff, v20;
	v12 =	vmpcnt.ones.xlane vm1  }
0x1c8: {  	(xrf0) =	vadd.scan.msk.s32 $0xffff, v60;
	vm1 =	vgt.s32 v6, $0x0;
	v6 =	vadd.s32 v9, v6;
	v5 =	vadd.s32 v11, v5  }
0x1c9: {  	v6 =	vsel vm1, v6, v8;
	v8 =	vadd.s32 v10, v12;
	v10 =	vsub.s32 v5, v13  }
0x1ca: {  	v7 =	vsub.s32 v4, v7;
	v4 =	vadd.s32 $0xFFFFFFFF, v3;
	vm1 =	vgt.s32 v12, $0x0  }
0x1cb: {  	v3 =	vadd.s32 $0xFFFFFFFF, v16;
	v7 =	vadd.s32 v11, v7;
	v11, _, _ =	vpop (xrf0);
	v9 =	vsel vm1, v8, v6  }
0x1cc: {  	s31 =	simm.s32 $0x40;
	vm1 =	vle.s32 v7, v1;
	v7 =	vadd.s32 v11, v10;
	v11 =	vsel vm0, $0x0, v11;
	v10, _, _ =	vpop (xrf0)  }
0x1cd: {  	v8 =	vmov s31;
	(xrf0) =	vadd.scan.msk.s32 $0xffff, v11;
	v6 =	vsub.s32 v10, v15;
	v10 =	vsel vm0, $0x0, v10;
	v12, _, _ =	vpop (xrf0)  }
0x1ce: {  	v13 =	vmpcnt.ones.xlane vm1;
	vm1 =	vle.s32 v7, v1;
	v15 =	vsel vm0, $0x0, v12;
	(xrf0) =	vadd.scan.msk.s32 $0xffff, v10;
	v63, _, _ =	vpop (xrf0)  }
0x1cf: {  	v7 =	vadd.s32 $0xFFFFFFFF, v8;
	v8 =	vsub.s32 v12, v20;
	v12 =	vsel vm0, $0x0, v63;
	(xrf0) =	vadd.scan.msk.s32 $0xffff, v15  }
0x1d0: {  	v11 =	vbroadcast v7, $0x0;
	v10 =	vmpcnt.ones.xlane vm1;
	vm1 =	vgt.s32 v13, $0x0;
	(xrf0) =	vadd.scan.msk.s32 $0xffff, v12  }
0x1d1: {  	s3 =	simm.s32 $0x4;
	s4 =	simm.s32 $0x80;
	s5 =	simm.s32 $0x8120;
	v13 =	vadd.s32 v14, v13;
	v7 =	vsub.s32 v63, v60;
	v12 =	vadd.s32 $0xFFFFFFFF, v18  }
.LBB2_14:
0x1d2: {  	v14 =	vld [tilespmem:s5+$0xFFFFFFE0];
	s6 =	sadd.s32 $0x10, s4;
	s7 =	sadd.s32 $0x20, s4;
	s8 =	sadd.s32 $0x30, s4;
	v15 =	vbroadcast v12, $0x0;
	v9 =	vsel vm1, v13, v9  }
0x1d3: {  	s3 =	sadd.s32 $0x4, s3;
	v12 =	vld [tilespmem:s5+$0xFFFFFFF0];
	v13 =	vmov s6;
	v16 =	vmov s7;
	v17 =	vmov s8;
	v18, _, _ =	vpop (xrf0)  }
0x1d4: {  	p0 =	slt.u32 s3, $0x3C;
	v13 =	vadd.s32 $0xFFFFFFFF, v13;
	v19 =	vld [tilespmem:s5+$0x0];
	v16 =	vadd.s32 $0xFFFFFFFF, v16;
	v23 =	vbroadcast v18, $0xF;
	v20, _, _ =	vpop (xrf0)  }
0x1d5: {  	v11 =	vadd.s32 v11, v10;
	v22 =	vbroadcast v4, $0x0;
	v21 =	vld [tilespmem:s5+$0x10];
	v4 =	vbroadcast v20, $0xF;
	v20, _, _ =	vpop (xrf0)  }
0x1d6: {  	vm1 =	vgt.s32 v10, $0x0;
	v5 =	vadd.s32 v5, v23;
	v10 =	vbroadcast v20, $0xF;
	v18, _, _ =	vpop (xrf0)  }
0x1d7: {  	v9 =	vsel vm1, v11, v9;
	(xrf0) =	vadd.scan.msk.s32 $0xffff, v14;
	v6 =	vadd.s32 v5, v6;
	v11 =	vadd.s32 v5, v4  }
0x1d8: {  	(xrf0) =	vadd.scan.msk.s32 $0xffff, v12;
	vm1 =	vle.s32 v6, v1;
	v5 =	vadd.s32 v11, v8;
	v6 =	vadd.s32 v11, v10  }
0x1d9: {  	(xrf0) =	vadd.scan.msk.s32 $0xffff, v19;
	v8 =	vmpcnt.ones.xlane vm1;
	vm1 =	vle.s32 v5, v1;
	v5 =	vbroadcast v18, $0xF;
	v4 =	vmovc v13  }
0x1da: {  	v13 =	vbroadcast v3, $0x0;
	v7 =	vadd.s32 v6, v7;
	v3 =	vmovc v16;
	(xrf0) =	vadd.scan.msk.s32 $0xffff, v21;
	v10 =	vmpcnt.ones.xlane vm1  }
0x1db: {  	vm1 =	vgt.s32 v8, $0x0;
	v8 =	vadd.s32 v22, v8;
	v5 =	vadd.s32 v6, v5  }
0x1dc: {  	v6 =	vsel vm1, v8, v9;
	vm1 =	vgt.s32 v10, $0x0;
	v8 =	vadd.s32 v13, v10  }
0x1dd: {  	v14 =	vsub.s32 v5, v14;
	v11, _, _ =	vpop (xrf0);
	v9 =	vsel vm1, v8, v6;
	vm1 =	vle.s32 v7, v1  }
0x1de: {  	v8 =	vmov s4;
	v7 =	vadd.s32 v11, v14;
	v13 =	vsel vm0, $0x0, v11;
	v11, _, _ =	vpop (xrf0)  }
.Ltmp7:
0x1df: {  	v6 =	vsub.s32 v11, v12;
	v11 =	vsel vm0, $0x0, v11;
	(xrf0) =	vadd.scan.msk.s32 $0xffff, v13;
	v10, _, _ =	vpop (xrf0);
	v13 =	vmpcnt.ones.xlane vm1;
	(pc) =	sbr.rel @p0 .LBB2_14-.Ltmp7, $4  }
0x1e0: {  	vm1 =	vle.s32 v7, v1;
	v7 =	vadd.s32 $0xFFFFFFFF, v8;
	v12 =	vsel vm0, $0x0, v10;
	(xrf0) =	vadd.scan.msk.s32 $0xffff, v11;
	v14, _, _ =	vpop (xrf0)  }
0x1e1: {  	v11 =	vbroadcast v7, $0x0;
	v8 =	vsub.s32 v10, v19;
	v16 =	vsel vm0, $0x0, v14;
	(xrf0) =	vadd.scan.msk.s32 $0xffff, v12  }
0x1e2: {  	v10 =	vmpcnt.ones.xlane vm1;
	v7 =	vsub.s32 v14, v21;
	vm1 =	vgt.s32 v13, $0x0;
	(xrf0) =	vadd.scan.msk.s32 $0xffff, v16  }
0x1e3: {  	s5 =	sadd.s32 $0x40, s5;
	s4 =	sadd.s32 $0x40, s4;
	v12 =	vadd.s32 $0xFFFFFFFF, v17;
	v13 =	vadd.s32 v15, v13  }
0x1e4: {  	_ = 	snop  }
0x1e5: {  	v12 =	vbroadcast v12, $0x0;
	v9 =	vsel vm1, v13, v9;
	v14, _, _ =	vpop (xrf0)  }
0x1e6: {  	v11 =	vadd.s32 v11, v10;
	v4 =	vbroadcast v4, $0x0;
	v58 =	vbroadcast v14, $0xF;
	v59, _, _ =	vpop (xrf0)  }
0x1e7: {  	vm0 =	vgt.s32 v10, $0x0;
	v3 =	vbroadcast v3, $0x0;
	v14 =	vbroadcast v59, $0xF;
	v15, _, _ =	vpop (xrf0)  }
0x1e8: {  	v0 =	vshll.u32 v0, $0x14;
	v5 =	vadd.s32 v5, v58;
	v60 =	vbroadcast v15, $0xF  }
0x1e9: {  	v2 =	vshll.u32 v2, $0xA;
	v6 =	vadd.s32 v5, v6;
	v5 =	vadd.s32 v5, v14  }
0x1ea: {  	vm10 =	vle.s32 v6, v1;
	v61 =	vadd.s32 v5, v8;
	v5 =	vadd.s32 v5, v60  }
0x1eb: {  	v62 =	vmpcnt.ones.xlane vm10;
	vm11 =	vle.s32 v61, v1;
	v5 =	vadd.s32 v5, v7  }
0x1ec: {  	v9 =	vsel vm0, v11, v9;
	v6 =	vmpcnt.ones.xlane vm11;
	vm12 =	vle.s32 v5, v1  }
0x1ed: {  	v1 =	vmpcnt.ones.xlane vm12;
	vm13 =	vgt.s32 v62, $0x0;
	v4 =	vadd.s32 v4, v62  }
0x1ee: {  	v4 =	vsel vm13, v4, v9;
	vm14 =	vgt.s32 v6, $0x0;
	v3 =	vadd.s32 v3, v6  }
0x1ef: {  	v3 =	vsel vm14, v3, v4;
	vm15 =	vgt.s32 v1, $0x0;
	v1 =	vadd.s32 v12, v1  }
0x1f0: {  	v0 =	vor.u32 v0, v2;
	v1 =	vsel vm15, v1, v3  }
0x1f1: {  	v0 =	vor.u32 v1, v0  }
0x1f2: {  	s3 =	simm.s32 $0x0;
	s4 =	simm.s32 $0x8880;
	s31 =	simm.s32 $0x1;
	[tilespmem:$0x8880] =	vst v0  }
0x1f3: {  	v63, _, _ =	vpop (xrf0);
	[hbm4b:s2+s3] =	stream.linear.scatter [tilespmem:s4], [sflag:$0x1], $0x80, $0x38;
	[tilespmem:$0x8900] =	vst v63  }
0x1f4: {  	_ =	swait.ge [sflag:s31], $0x80  }
0x1f5: {  	[sflag:s31] =	ssyncset.done $0x0  }
0x1f6: {  	[sflag:s31] =	ssyncadd.s32 $0xFFFFFF80  }
.LBB2_16:
0x1f7: {  	_ =	sfence.sel $0x180000  }
0x1f8: {  	[bflag:$0x0] =	sbarrier.arrive $0xFFFF  }
0x1f9: {  	p0 =	sne.s32 s1, $0x0;
	_ =	strace $0x90000047  }
0x1fa: {  	s0 =	sadd.s32 @!p0 $0x100000, s0;
	[bflag:$0x2] =	sbarrier.arrive $0xFFFF  }
0x1fb: {  	[sflag:s0] =	ssyncadd.tile.s32 @!p0 $0x1;
	_ =	shalt  }
.Lfunc_end2:
_tile_overlayer_lowered:
.L_overlay_start_2:
0x1fc: {  	(tag) =	ssettag $0x2  }
0x1fd: {  	s0 =	rddreg [dreg:$0x0];
	s2 =	stileid.u32  }
0x1fe: {  	s1 =	rddreg [dreg:$0x1];
	p0 =	sne.s32 s2, $0x0  }
0x1ff: {  	s3 =	rddreg [dreg:$0x2];
	[bflag:$0x3] =	sbarrier.arrive $0xFFFF;
	s2 =	simm.s32 @!p0 $0x1C01  }
0x200: {  	[timem:s3], [sflag:s2] =	dma.local @!p0 [hbm:s0], s1  }
0x201: {  	s0 =	simm.s32 @!p0 $0x1  }
0x202: {  	_ =	swait.ge @!p0 [sflag:s0], s1  }
0x203: {  	s1 =	ssub.s32 @!p0 $0x0, s1;
	[sflag:s0] =	ssyncset.done @!p0 $0x0  }
0x204: {  	[sflag:s0] =	ssyncadd.s32 @!p0 s1  }
0x205: {  	[bflag:$0x3] =	sbarrier.arrive $0xFFFF  }
0x206: {  	_ =	shalt  }

</sc_bundles>
